<compile_context>
chip_gen: v7x
topology: tpu7x:2x2x1
jax: 0.10.2.dev20260603
libtpu: 0.0.44.dev20260713+nightly
codegen_flags: <defaults>
</compile_context>

<pallas_src>
import functools

import jax
import jax.numpy as jnp
from jax import lax
from jax.experimental import pallas as pl
from jax.experimental.pallas import tpu as pltpu
from jax.experimental.pallas import tpu_sc as plsc

_GATHER_WINDOW = 128
_TB = 1024
_PACK_CHUNK = 20000
_PREC = lax.Precision.DEFAULT


def _linearize_tables_tc(tablesT):
    f, d, v = tablesT.shape
    rows_per_blk = v * d // 128
    chunk = _PACK_CHUNK
    bounds = list(range(0, v, chunk))

    quarter = chunk // 4

    def body(in_ref, out_ref):
        for c0 in bounds:
            slab = jnp.concatenate(
                [in_ref[0, :, c0 + k * quarter:c0 + (k + 1) * quarter]
                 for k in range(4)], axis=0)
            out_ref[c0 // 4:(c0 + chunk) // 4, :] = slab.T

    return pl.pallas_call(
        body,
        grid=(f,),
        in_specs=[pl.BlockSpec((1, d, v), lambda i: (i, 0, 0))],
        out_specs=pl.BlockSpec((rows_per_blk, 128), lambda i: (i, 0)),
        out_shape=jax.ShapeDtypeStruct((f * v * d // 128, 128), jnp.float32),
        compiler_params=pltpu.CompilerParams(
            dimension_semantics=("parallel",),
            vmem_limit_bytes=130 * 1024 * 1024),
    )(tablesT)


def _gather_sc(tables_flat, idx):
    num_idx = idx.shape[0]
    d = tables_flat.shape[1]
    idx2 = idx.reshape(1, num_idx)
    mesh = plsc.VectorSubcoreMesh(core_axis_name="c", subcore_axis_name="s")

    @functools.partial(
        pl.kernel,
        out_type=jax.ShapeDtypeStruct((num_idx, d), tables_flat.dtype),
        mesh=mesh,
        compiler_params=pltpu.CompilerParams(use_tc_tiling_on_sc=False),
    )
    def gather_kernel(x_hbm, i_hbm, o_hbm):
        def body(i_vmem, o_vmem):
            pltpu.sync_copy(x_hbm.at[i_vmem.at[0]], o_vmem)

        pltpu.emit_pipeline(
            body,
            grid=(num_idx // _GATHER_WINDOW,),
            in_specs=[pl.BlockSpec((1, _GATHER_WINDOW), lambda i: (0, i))],
            out_specs=[pl.BlockSpec((_GATHER_WINDOW, d), lambda i: (i, 0))],
            core_axis_name=("c", "s"),
            dimension_semantics=(pltpu.PARALLEL,),
        )(i_hbm, o_hbm)

    return gather_kernel(tables_flat, idx2)


def _ln_gelu(h, g, bt):
    mu = jnp.mean(h, axis=-1, keepdims=True)
    var = jnp.mean((h - mu) ** 2, axis=-1, keepdims=True)
    h = (h - mu) / jnp.sqrt(var + 1e-5) * g + bt
    return h * 0.5 * (1.0 + lax.erf(h * (2.0 ** -0.5)))


def _mlp_body(emb_ref, xnum_ref, w1a_ref, w1b_ref, b1_ref, g1_ref, bt1_ref,
              w2_ref, b2_ref, g2_ref, bt2_ref, w3_ref, b3_ref, g3_ref, bt3_ref,
              w4_ref, b4_ref, out_ref):
    dot = functools.partial(jnp.dot, preferred_element_type=jnp.float32,
                            precision=_PREC)
    e3 = emb_ref[...].reshape(_TB, 7, 128)
    h = dot(xnum_ref[...], w1b_ref[...])
    for r in range(7):
        h = h + dot(e3[:, r, :], w1a_ref[128 * r:128 * (r + 1), :])
    h = _ln_gelu(h + b1_ref[...], g1_ref[...], bt1_ref[...])
    h = _ln_gelu(dot(h, w2_ref[...]) + b2_ref[...], g2_ref[...], bt2_ref[...])
    h = _ln_gelu(dot(h, w3_ref[...]) + b3_ref[...], g3_ref[...], bt3_ref[...])
    z = dot(h, w4_ref[...]) + b4_ref[...]
    out_ref[...] = jax.nn.sigmoid(z)


def _mlp_tc(embv, xnum, w1a, w1b, b1, g1, bt1, w2, b2, g2, bt2,
            w3, b3, g3, bt3, w4, b4):
    bsz = xnum.shape[0]
    grid = (bsz // _TB,)

    def tile(r):
        return pl.BlockSpec((_TB, r.shape[1]), lambda i: (i, 0))

    def full(r):
        return pl.BlockSpec(r.shape, lambda i: (0, 0))

    emb_spec = pl.BlockSpec((_TB * 7, 128), lambda i: (i, 0))
    return pl.pallas_call(
        _mlp_body,
        grid=grid,
        in_specs=[emb_spec, tile(xnum)] + [full(r) for r in (
            w1a, w1b, b1, g1, bt1, w2, b2, g2, bt2, w3, b3, g3, bt3, w4, b4)],
        out_specs=pl.BlockSpec((_TB, 1), lambda i: (i, 0)),
        out_shape=jax.ShapeDtypeStruct((bsz, 1), jnp.float32),
        compiler_params=pltpu.CompilerParams(
            dimension_semantics=("parallel",)),
    )(embv, xnum, w1a, w1b, b1, g1, bt1, w2, b2, g2, bt2,
      w3, b3, g3, bt3, w4, b4)


def kernel(x_cat, x_num, tables, W1, b1, g1, bt1, W2, b2, g2, bt2,
           W3, b3, g3, bt3, W4, b4):
    f, v, d = tables.shape
    b = x_cat.shape[0]
    tables_flat = _linearize_tables_tc(
        jnp.swapaxes(tables, 1, 2)).reshape(f * v, d)
    offsets = (jnp.arange(f, dtype=jnp.int32) * v)[None, :]
    q = _PACK_CHUNK // 4
    pos = x_cat % _PACK_CHUNK
    perm = (x_cat - pos) + 4 * (pos % q) + pos // q
    gidx = perm + offsets
    idxp = jnp.concatenate([gidx, gidx[:, :2]], axis=1).reshape(-1)
    embv = _gather_sc(tables_flat, idxp).reshape(b * 7, 128)
    w1a = jnp.concatenate(
        [W1[: f * d], jnp.zeros((896 - f * d, W1.shape[1]), W1.dtype)])
    w1b = W1[f * d:]
    row = lambda x: x.reshape(1, -1)
    return _mlp_tc(embv, x_num, w1a, w1b, row(b1), row(g1), row(bt1),
                   W2, row(b2), row(g2), row(bt2),
                   W3, row(b3), row(g3), row(bt3), W4, row(b4))

# --- scband reference (transcript-rebuilt; emitter-appended) ---
"""Pipeline reference for scband-mlppreco-48885317763488 (READ-ONLY COPY).

The authoritative reference and input builder live on the scoring server;
editing this copy changes nothing except your own understanding.
"""

import jax, jax.numpy as jnp
import numpy as np

B = 16384
F = 26
V = 100000
D = 32
NNUM = 13
HID = (256, 128, 64)


def setup_inputs(seed: int = 0) -> dict:
    key = jax.random.key(seed)
    ks = jax.random.split(key, 24)
    x_cat = jax.random.randint(ks[0], (B, F), 0, V, dtype=jnp.int32)
    x_num = jax.random.normal(ks[1], (B, NNUM), dtype=jnp.float32)
    tables = jax.random.normal(ks[2], (F, V, D), dtype=jnp.float32) * 0.05
    tables = tables.at[:, 0, :].set(0.0)  # padding_idx=0
    din = F * D + NNUM
    dims = [din] + list(HID)
    inp = {"x_cat": x_cat, "x_num": x_num, "tables": tables}
    for i in range(len(HID)):
        inp[f"W{i+1}"] = jax.random.normal(ks[3 + 4 * i], (dims[i], dims[i + 1]), dtype=jnp.float32) * (1.0 / np.sqrt(dims[i]))
        inp[f"b{i+1}"] = jnp.zeros((dims[i + 1],), dtype=jnp.float32)
        inp[f"g{i+1}"] = jnp.ones((dims[i + 1],), dtype=jnp.float32)
        inp[f"bt{i+1}"] = jnp.zeros((dims[i + 1],), dtype=jnp.float32)
    inp["W4"] = jax.random.normal(ks[20], (HID[-1], 1), dtype=jnp.float32) * (1.0 / np.sqrt(HID[-1]))
    inp["b4"] = jnp.zeros((1,), dtype=jnp.float32)
    return inp


def _block(h, W, b, g, bt):
    h = h @ W + b
    mu = jnp.mean(h, axis=-1, keepdims=True)
    var = jnp.mean((h - mu) ** 2, axis=-1, keepdims=True)
    h = (h - mu) / jnp.sqrt(var + 1e-5) * g + bt
    return jax.nn.gelu(h, approximate=False)


def reference(x_cat, x_num, tables, W1, b1, g1, bt1, W2, b2, g2, bt2, W3, b3, g3, bt3, W4, b4):
    # per-field embedding lookup (padding row 0 already zeroed in table)
    emb = jax.vmap(lambda t, idx: jnp.take(t, idx, axis=0), in_axes=(0, 1), out_axes=1)(tables, x_cat)  # [B, F, D]
    h = jnp.concatenate([emb.reshape(emb.shape[0], -1), x_num], axis=1)
    h = _block(h, W1, b1, g1, bt1)
    h = _block(h, W2, b2, g2, bt2)
    h = _block(h, W3, b3, g3, bt3)
    out = jax.nn.sigmoid(h @ W4 + b4)
    return out

if __name__ == "__main__":
    import jax
    _d = setup_inputs()
    print(jax.jit(kernel)(*tuple(_d.values())))

</pallas_src>

<mosaic_0001>
#map = affine_map<(d0, d1) -> (0, 0)>
module attributes {stable_mosaic.version = 14 : i64} {
  func.func @gather_kernel(%arg0: i32, %arg1: i32, %arg2: memref<2600000x32xf32, #tpu.memory_space<hbm>>, %arg3: memref<1x458752xi32, #tpu.memory_space<hbm>>, %arg4: memref<458752x32xf32, #tpu.memory_space<hbm>>) attributes {dimension_semantics = [#tpu.dimension_semantics<core_parallel>, #tpu.dimension_semantics<subcore_parallel>], iteration_bounds = array<i64: 2, 16>, scalar_prefetch = 0 : i64, scratch_operands = 0 : i64, tpu.core_type = #tpu.core_type<sc_vector_subcore>, window_params = [{transform_indices = #map}, {transform_indices = #map}, {transform_indices = #map}]} {
    %mul3A = arith.constant 1 : i32
    %mul3A_0 = arith.muli %arg1, %mul3A : i32
    %add3A = arith.constant 0 : i32
    %add3A_1 = arith.addi %add3A, %mul3A_0 : i32
    %mul3A_2 = arith.constant 16 : i32
    %mul3A_3 = arith.muli %arg0, %mul3A_2 : i32
    %add3A_4 = arith.addi %add3A_1, %mul3A_3 : i32
    %mul3A_5 = arith.constant 112 : i32
    %mul3A_6 = arith.muli %add3A_4, %mul3A_5 : i32
    "tpu.region"() ({
      %run_scoped3A = memref.alloca() : memref<2x1x128xi32, #tpu.memory_space<vmem>>
      %run_scoped3A_7 = tpu.sem_alloc : memref<2x!tpu.dma_semaphore, #tpu.memory_space<semaphore_mem>>
      %run_scoped3A_8 = memref.alloca() : memref<2x128x32xf32, #tpu.memory_space<vmem>>
      %run_scoped3A_9 = tpu.sem_alloc : memref<2x!tpu.dma_semaphore, #tpu.memory_space<semaphore_mem>>
      %add3A_10 = arith.constant 0 : i32
      %add3A_11 = arith.addi %add3A_10, %mul3A_6 : i32
      %select_n3A = arith.constant true
      %select_n3A_12 = arith.constant 0 : i32
      %select_n3A_13 = arith.constant -1 : i32
      %select_n3A_14 = arith.select %select_n3A, %select_n3A_13, %select_n3A_12 : i32
      %eq3A = arith.constant -1 : i32
      %eq3A_15 = arith.cmpi eq, %select_n3A_14, %eq3A : i32
      %select_n3A_16 = arith.constant 111 : i32
      %select_n3A_17 = arith.select %eq3A_15, %select_n3A_16, %select_n3A_14 : i32
      %add3A_18 = arith.addi %select_n3A_17, %mul3A_6 : i32
      %select_n3A_19 = arith.constant true
      %select_n3A_20 = arith.constant 0 : i32
      %select_n3A_21 = arith.constant 1 : i32
      %select_n3A_22 = arith.select %select_n3A_19, %select_n3A_21, %select_n3A_20 : i32
      %eq3A_23 = arith.constant 112 : i32
      %eq3A_24 = arith.cmpi eq, %select_n3A_22, %eq3A_23 : i32
      %select_n3A_25 = arith.constant 0 : i32
      %select_n3A_26 = arith.select %eq3A_24, %select_n3A_25, %select_n3A_22 : i32
      %add3A_27 = arith.addi %select_n3A_26, %mul3A_6 : i32
      %add3A_28 = arith.constant 1 : i32
      %add3A_29 = arith.addi %select_n3A_26, %add3A_28 : i32
      %select_n3A_30 = arith.constant true
      %select_n3A_31 = arith.select %select_n3A_30, %add3A_29, %select_n3A_26 : i32
      %eq3A_32 = arith.constant 112 : i32
      %eq3A_33 = arith.cmpi eq, %select_n3A_31, %eq3A_32 : i32
      %select_n3A_34 = arith.constant 0 : i32
      %select_n3A_35 = arith.select %eq3A_33, %select_n3A_34, %select_n3A_31 : i32
      %add3A_36 = arith.addi %select_n3A_35, %mul3A_6 : i32
      "tpu.trace_start"() <{level = 10 : i32, message = "ep_initialize_0"}> : () -> ()
      %rem3A = arith.constant 0 : i32
      %rem3A_37 = arith.constant 2 : i32
      %rem3A_38 = arith.remui %rem3A, %rem3A_37 : i32
      %mul3A_39 = arith.constant 128 : i32
      %mul3A_40 = arith.muli %mul3A_39, %add3A_11 : i32
      %dma_start3A = arith.constant 0 : i32
      %dma_start3A_41 = arith.constant 0 : i32
      %dma_start3A_42 = tpu.memref_slice %run_scoped3A[%rem3A_38, %dma_start3A, %dma_start3A_41] : memref<2x1x128xi32, #tpu.memory_space<vmem>> -> memref<1x1x128xi32, #tpu.memory_space<vmem>>
      %dma_start3A_43 = tpu.memref_squeeze %dma_start3A_42 : memref<1x1x128xi32, #tpu.memory_space<vmem>> -> memref<1x128xi32, #tpu.memory_space<vmem>>
      %dma_start3A_44 = arith.constant 0 : i32
      %dma_start3A_45 = tpu.memref_slice %arg3[%dma_start3A_44, %mul3A_40] : memref<1x458752xi32, #tpu.memory_space<hbm>> -> memref<1x128xi32, #tpu.memory_space<hbm>>
      %dma_start3A_46 = tpu.memref_slice %run_scoped3A_7[%rem3A_38] : memref<2x!tpu.dma_semaphore, #tpu.memory_space<semaphore_mem>> -> memref<1x!tpu.dma_semaphore, #tpu.memory_space<semaphore_mem>>
      %dma_start3A_47 = tpu.memref_squeeze %dma_start3A_46 : memref<1x!tpu.dma_semaphore, #tpu.memory_space<semaphore_mem>> -> memref<!tpu.dma_semaphore, #tpu.memory_space<semaphore_mem>>
      %dma_start3A_48 = arith.constant 0 : i32
      %dma_start3A_49 = arith.constant 0 : i32
      %dma_start3A_50 = tpu.memref_slice %run_scoped3A[%rem3A_38, %dma_start3A_48, %dma_start3A_49] : memref<2x1x128xi32, #tpu.memory_space<vmem>> -> memref<1x1x128xi32, #tpu.memory_space<vmem>>
      %dma_start3A_51 = tpu.memref_squeeze %dma_start3A_50 : memref<1x1x128xi32, #tpu.memory_space<vmem>> -> memref<1x128xi32, #tpu.memory_space<vmem>>
      %dma_start3A_52 = arith.constant 0 : i32
      %dma_start3A_53 = tpu.memref_slice %arg3[%dma_start3A_52, %mul3A_40] : memref<1x458752xi32, #tpu.memory_space<hbm>> -> memref<1x128xi32, #tpu.memory_space<hbm>>
      tpu.enqueue_dma source(%dma_start3A_53 : memref<1x128xi32, #tpu.memory_space<hbm>>) target(%dma_start3A_51 : memref<1x128xi32, #tpu.memory_space<vmem>>) target_semaphore(%dma_start3A_47 : memref<!tpu.dma_semaphore, #tpu.memory_space<semaphore_mem>>)
      %add3A_54 = arith.constant 0 : i32
      %add3A_55 = arith.constant 1 : i32
      %add3A_56 = arith.addi %add3A_54, %add3A_55 : i32
      %select_n3A_57 = arith.constant true
      %select_n3A_58 = arith.constant 0 : i32
      %select_n3A_59 = arith.select %select_n3A_57, %add3A_56, %select_n3A_58 : i32
      "tpu.trace_stop"() : () -> ()
      %scan3A = arith.constant 0 : i32
      %scan3A_60 = arith.constant 0 : i32
      %scan3A_61 = arith.constant 0 : i32
      %scan3A_62 = arith.constant 0 : i32
      %scan3A_63 = arith.constant 0 : i32
      %scan3A_64 = arith.constant 112 : i32
      %scan3A_65 = arith.addi %scan3A_63, %scan3A_64 : i32
      %scan3A_66 = arith.constant 1 : i32
      %scan3A_67:5 = scf.for %scan3A_121 = %scan3A_63 to %scan3A_65 step %scan3A_66 iter_args(%scan3A_122 = %select_n3A_59, %scan3A_123 = %scan3A, %scan3A_124 = %scan3A_60, %scan3A_125 = %scan3A_61, %scan3A_126 = %scan3A_62) -> (i32, i32, i32, i32, i32)  : i32 {
        %eq3A_127 = arith.constant 0 : i32
        %eq3A_128 = arith.cmpi eq, %scan3A_121, %eq3A_127 : i32
        %eq3A_129 = arith.constant 111 : i32
        %eq3A_130 = arith.cmpi eq, %scan3A_121, %eq3A_129 : i32
        %add3A_131 = arith.addi %scan3A_126, %mul3A_6 : i32
        %sub3A_132 = arith.constant 1 : i32
        %sub3A_133 = arith.subi %scan3A_126, %sub3A_132 : i32
        %select_n3A_134 = arith.constant true
        %select_n3A_135 = arith.select %select_n3A_134, %sub3A_133, %scan3A_126 : i32
        %eq3A_136 = arith.constant -1 : i32
        %eq3A_137 = arith.cmpi eq, %select_n3A_135, %eq3A_136 : i32
        %select_n3A_138 = arith.constant 111 : i32
        %select_n3A_139 = arith.select %eq3A_137, %select_n3A_138, %select_n3A_135 : i32
        %add3A_140 = arith.addi %select_n3A_139, %mul3A_6 : i32
        %add3A_141 = arith.constant 1 : i32
        %add3A_142 = arith.addi %scan3A_126, %add3A_141 : i32
        %select_n3A_143 = arith.constant true
        %select_n3A_144 = arith.select %select_n3A_143, %add3A_142, %scan3A_126 : i32
        %eq3A_145 = arith.constant 112 : i32
        %eq3A_146 = arith.cmpi eq, %select_n3A_144, %eq3A_145 : i32
        %select_n3A_147 = arith.constant 0 : i32
        %select_n3A_148 = arith.select %eq3A_146, %select_n3A_147, %select_n3A_144 : i32
        %add3A_149 = arith.addi %select_n3A_148, %mul3A_6 : i32
        %add3A_150 = arith.constant 1 : i32
        %add3A_151 = arith.addi %select_n3A_148, %add3A_150 : i32
        %select_n3A_152 = arith.constant true
        %select_n3A_153 = arith.select %select_n3A_152, %add3A_151, %select_n3A_148 : i32
        %eq3A_154 = arith.constant 112 : i32
        %eq3A_155 = arith.cmpi eq, %select_n3A_153, %eq3A_154 : i32
        %select_n3A_156 = arith.constant 0 : i32
        %select_n3A_157 = arith.select %eq3A_155, %select_n3A_156, %select_n3A_153 : i32
        %add3A_158 = arith.addi %select_n3A_157, %mul3A_6 : i32
        %ne3A = arith.cmpi ne, %add3A_131, %add3A_149 : i32
        %or3A = arith.constant false
        %or3A_159 = arith.ori %or3A, %ne3A : i1
        %ge3A = arith.constant 111 : i32
        %ge3A_160 = arith.cmpi sge, %scan3A_121, %ge3A : i32
        %not3A = arith.constant true
        %not3A_161 = arith.xori %ge3A_160, %not3A : i1
        %and3A = arith.andi %or3A_159, %not3A_161 : i1
        %convert_element_type3A = arith.extui %and3A : i1 to i32
        %cond3A = arith.constant 0 : i32
        %cond3A_162 = arith.cmpi ne, %convert_element_type3A, %cond3A : i32
        scf.if %cond3A_162 {
          "tpu.trace_start"() <{level = 10 : i32, message = "ep_copy_in"}> : () -> ()
          %rem3A_264 = arith.constant 2 : i32
          %rem3A_265 = arith.remui %scan3A_122, %rem3A_264 : i32
          %mul3A_266 = arith.constant 128 : i32
          %mul3A_267 = arith.muli %mul3A_266, %add3A_149 : i32
          %dma_start3A_268 = arith.constant 0 : i32
          %dma_start3A_269 = arith.constant 0 : i32
          %dma_start3A_270 = tpu.memref_slice %run_scoped3A[%rem3A_265, %dma_start3A_268, %dma_start3A_269] : memref<2x1x128xi32, #tpu.memory_space<vmem>> -> memref<1x1x128xi32, #tpu.memory_space<vmem>>
          %dma_start3A_271 = tpu.memref_squeeze %dma_start3A_270 : memref<1x1x128xi32, #tpu.memory_space<vmem>> -> memref<1x128xi32, #tpu.memory_space<vmem>>
          %dma_start3A_272 = arith.constant 0 : i32
          %dma_start3A_273 = tpu.memref_slice %arg3[%dma_start3A_272, %mul3A_267] : memref<1x458752xi32, #tpu.memory_space<hbm>> -> memref<1x128xi32, #tpu.memory_space<hbm>>
          %dma_start3A_274 = tpu.memref_slice %run_scoped3A_7[%rem3A_265] : memref<2x!tpu.dma_semaphore, #tpu.memory_space<semaphore_mem>> -> memref<1x!tpu.dma_semaphore, #tpu.memory_space<semaphore_mem>>
          %dma_start3A_275 = tpu.memref_squeeze %dma_start3A_274 : memref<1x!tpu.dma_semaphore, #tpu.memory_space<semaphore_mem>> -> memref<!tpu.dma_semaphore, #tpu.memory_space<semaphore_mem>>
          %dma_start3A_276 = arith.constant 0 : i32
          %dma_start3A_277 = arith.constant 0 : i32
          %dma_start3A_278 = tpu.memref_slice %run_scoped3A[%rem3A_265, %dma_start3A_276, %dma_start3A_277] : memref<2x1x128xi32, #tpu.memory_space<vmem>> -> memref<1x1x128xi32, #tpu.memory_space<vmem>>
          %dma_start3A_279 = tpu.memref_squeeze %dma_start3A_278 : memref<1x1x128xi32, #tpu.memory_space<vmem>> -> memref<1x128xi32, #tpu.memory_space<vmem>>
          %dma_start3A_280 = arith.constant 0 : i32
          %dma_start3A_281 = tpu.memref_slice %arg3[%dma_start3A_280, %mul3A_267] : memref<1x458752xi32, #tpu.memory_space<hbm>> -> memref<1x128xi32, #tpu.memory_space<hbm>>
          tpu.enqueue_dma source(%dma_start3A_281 : memref<1x128xi32, #tpu.memory_space<hbm>>) target(%dma_start3A_279 : memref<1x128xi32, #tpu.memory_space<vmem>>) target_semaphore(%dma_start3A_275 : memref<!tpu.dma_semaphore, #tpu.memory_space<semaphore_mem>>)
          "tpu.trace_stop"() : () -> ()
        } else {
        }
        %and3A_163 = arith.constant true
        %and3A_164 = arith.andi %and3A, %and3A_163 : i1
        %add3A_165 = arith.constant 1 : i32
        %add3A_166 = arith.addi %scan3A_122, %add3A_165 : i32
        %select_n3A_167 = arith.select %and3A_164, %add3A_166, %scan3A_122 : i32
        %ne3A_168 = arith.cmpi ne, %add3A_131, %add3A_149 : i32
        %or3A_169 = arith.constant false
        %or3A_170 = arith.ori %or3A_169, %ne3A_168 : i1
        %or3A_171 = arith.constant false
        %or3A_172 = arith.ori %or3A_170, %or3A_171 : i1
        %ge3A_173 = arith.constant 111 : i32
        %ge3A_174 = arith.cmpi sge, %scan3A_121, %ge3A_173 : i32
        %not3A_175 = arith.constant true
        %not3A_176 = arith.xori %ge3A_174, %not3A_175 : i1
        %and3A_177 = arith.andi %or3A_172, %not3A_176 : i1
        %ne3A_178 = arith.cmpi ne, %add3A_131, %add3A_140 : i32
        %or3A_179 = arith.constant false
        %or3A_180 = arith.ori %or3A_179, %ne3A_178 : i1
        %or3A_181 = arith.ori %or3A_180, %eq3A_128 : i1
        %convert_element_type3A_182 = arith.extui %or3A_181 : i1 to i32
        %cond3A_183 = arith.constant 0 : i32
        %cond3A_184 = arith.cmpi ne, %convert_element_type3A_182, %cond3A_183 : i32
        scf.if %cond3A_184 {
          "tpu.trace_start"() <{level = 10 : i32, message = "ep_wait_in"}> : () -> ()
          %mul3A_264 = arith.constant 128 : i32
          %mul3A_265 = arith.muli %mul3A_264, %add3A_131 : i32
          %rem3A_266 = arith.constant 2 : i32
          %rem3A_267 = arith.remui %scan3A_123, %rem3A_266 : i32
          %dma_wait3A_268 = arith.constant 0 : i32
          %dma_wait3A_269 = arith.constant 0 : i32
          %dma_wait3A_270 = tpu.memref_slice %run_scoped3A[%rem3A_267, %dma_wait3A_268, %dma_wait3A_269] : memref<2x1x128xi32, #tpu.memory_space<vmem>> -> memref<1x1x128xi32, #tpu.memory_space<vmem>>
          %dma_wait3A_271 = tpu.memref_squeeze %dma_wait3A_270 : memref<1x1x128xi32, #tpu.memory_space<vmem>> -> memref<1x128xi32, #tpu.memory_space<vmem>>
          %dma_wait3A_272 = arith.constant 0 : i32
          %dma_wait3A_273 = tpu.memref_slice %arg3[%dma_wait3A_272, %mul3A_265] : memref<1x458752xi32, #tpu.memory_space<hbm>> -> memref<1x128xi32, #tpu.memory_space<hbm>>
          %dma_wait3A_274 = tpu.memref_slice %run_scoped3A_7[%rem3A_267] : memref<2x!tpu.dma_semaphore, #tpu.memory_space<semaphore_mem>> -> memref<1x!tpu.dma_semaphore, #tpu.memory_space<semaphore_mem>>
          %dma_wait3A_275 = tpu.memref_squeeze %dma_wait3A_274 : memref<1x!tpu.dma_semaphore, #tpu.memory_space<semaphore_mem>> -> memref<!tpu.dma_semaphore, #tpu.memory_space<semaphore_mem>>
          %dma_wait3A_276 = arith.constant 0 : i32
          %dma_wait3A_277 = arith.constant 0 : i32
          %dma_wait3A_278 = tpu.memref_slice %run_scoped3A[%rem3A_267, %dma_wait3A_276, %dma_wait3A_277] : memref<2x1x128xi32, #tpu.memory_space<vmem>> -> memref<1x1x128xi32, #tpu.memory_space<vmem>>
          %dma_wait3A_279 = tpu.memref_squeeze %dma_wait3A_278 : memref<1x1x128xi32, #tpu.memory_space<vmem>> -> memref<1x128xi32, #tpu.memory_space<vmem>>
          %dma_wait3A_280 = arith.constant 0 : i32
          %dma_wait3A_281 = tpu.memref_slice %arg3[%dma_wait3A_280, %mul3A_265] : memref<1x458752xi32, #tpu.memory_space<hbm>> -> memref<1x128xi32, #tpu.memory_space<hbm>>
          tpu.wait_dma2 semaphore(%dma_wait3A_275 : memref<!tpu.dma_semaphore, #tpu.memory_space<semaphore_mem>>) src(%dma_wait3A_281 : memref<1x128xi32, #tpu.memory_space<hbm>>) dst(%dma_wait3A_279 : memref<1x128xi32, #tpu.memory_space<vmem>>)
          "tpu.trace_stop"() : () -> ()
        } else {
        }
        %ne3A_185 = arith.cmpi ne, %add3A_131, %add3A_140 : i32
        %or3A_186 = arith.constant false
        %or3A_187 = arith.ori %or3A_186, %ne3A_185 : i1
        %or3A_188 = arith.constant false
        %or3A_189 = arith.ori %or3A_187, %or3A_188 : i1
        %or3A_190 = arith.ori %or3A_189, %eq3A_128 : i1
        %convert_element_type3A_191 = arith.extui %or3A_190 : i1 to i32
        %cond3A_192 = arith.constant 0 : i32
        %cond3A_193 = arith.cmpi ne, %convert_element_type3A_191, %cond3A_192 : i32
        scf.if %cond3A_193 {
        } else {
        }
        %rem3A_194 = arith.constant 2 : i32
        %rem3A_195 = arith.remui %scan3A_123, %rem3A_194 : i32
        %rem3A_196 = arith.constant 2 : i32
        %rem3A_197 = arith.remui %scan3A_124, %rem3A_196 : i32
        %run_scoped3A_198 = arith.constant 0 : i32
        "tpu.trace_start"() <{level = 10 : i32, message = "ep_run_kernel"}> : () -> ()
        "tpu.region"() ({
          %run_scoped3A_264 = tpu.sem_alloc : memref<!tpu.dma_semaphore, #tpu.memory_space<semaphore_mem>>
          %dma_start3A_265 = arith.constant 0 : i32
          %dma_start3A_266 = arith.constant 0 : i32
          %dma_start3A_267 = tpu.memref_slice %run_scoped3A_8[%rem3A_197, %dma_start3A_265, %dma_start3A_266] : memref<2x128x32xf32, #tpu.memory_space<vmem>> -> memref<1x128x32xf32, #tpu.memory_space<vmem>>
          %dma_start3A_268 = tpu.memref_squeeze %dma_start3A_267 : memref<1x128x32xf32, #tpu.memory_space<vmem>> -> memref<128x32xf32, #tpu.memory_space<vmem>>
          %dma_start3A_269 = arith.constant 0 : i32
          %dma_start3A_270 = arith.constant 0 : i32
          %dma_start3A_271 = tpu.memref_slice %run_scoped3A[%rem3A_195, %dma_start3A_269, %dma_start3A_270] : memref<2x1x128xi32, #tpu.memory_space<vmem>> -> memref<1x1x128xi32, #tpu.memory_space<vmem>>
          %dma_start3A_272 = tpu.memref_squeeze %dma_start3A_271 : memref<1x1x128xi32, #tpu.memory_space<vmem>> -> memref<1x128xi32, #tpu.memory_space<vmem>>
          %dma_start3A_273 = arith.constant 0 : i32
          %dma_start3A_274 = tpu.memref_slice %dma_start3A_272[%run_scoped3A_198, %dma_start3A_273] : memref<1x128xi32, #tpu.memory_space<vmem>> -> memref<1x128xi32, #tpu.memory_space<vmem>>
          %dma_start3A_275 = tpu.memref_squeeze %dma_start3A_274 : memref<1x128xi32, #tpu.memory_space<vmem>> -> memref<128xi32, #tpu.memory_space<vmem>>
          %dma_start3A_276 = arith.constant 0 : i32
          %dma_start3A_277 = arith.constant 0 : i32
          %dma_start3A_278 = tpu.memref_slice %arg2[%dma_start3A_276, %dma_start3A_277] : memref<2600000x32xf32, #tpu.memory_space<hbm>> -> memref<2600000x32xf32, #tpu.memory_space<hbm>>
          tpu.enqueue_indirect_dma source(%dma_start3A_278 : memref<2600000x32xf32, #tpu.memory_space<hbm>>) target(%dma_start3A_268 : memref<128x32xf32, #tpu.memory_space<vmem>>) offsets(%dma_start3A_275 : memref<128xi32, #tpu.memory_space<vmem>>) semaphore(%run_scoped3A_264 : memref<!tpu.dma_semaphore, #tpu.memory_space<semaphore_mem>>)
          %dma_wait3A_279 = arith.constant 0 : i32
          %dma_wait3A_280 = arith.constant 0 : i32
          %dma_wait3A_281 = tpu.memref_slice %run_scoped3A_8[%rem3A_197, %dma_wait3A_279, %dma_wait3A_280] : memref<2x128x32xf32, #tpu.memory_space<vmem>> -> memref<1x128x32xf32, #tpu.memory_space<vmem>>
          %dma_wait3A_282 = tpu.memref_squeeze %dma_wait3A_281 : memref<1x128x32xf32, #tpu.memory_space<vmem>> -> memref<128x32xf32, #tpu.memory_space<vmem>>
          %dma_wait3A_283 = arith.constant 0 : i32
          %dma_wait3A_284 = arith.constant 0 : i32
          %dma_wait3A_285 = tpu.memref_slice %run_scoped3A[%rem3A_195, %dma_wait3A_283, %dma_wait3A_284] : memref<2x1x128xi32, #tpu.memory_space<vmem>> -> memref<1x1x128xi32, #tpu.memory_space<vmem>>
          %dma_wait3A_286 = tpu.memref_squeeze %dma_wait3A_285 : memref<1x1x128xi32, #tpu.memory_space<vmem>> -> memref<1x128xi32, #tpu.memory_space<vmem>>
          %dma_wait3A_287 = arith.constant 0 : i32
          %dma_wait3A_288 = tpu.memref_slice %dma_wait3A_286[%run_scoped3A_198, %dma_wait3A_287] : memref<1x128xi32, #tpu.memory_space<vmem>> -> memref<1x128xi32, #tpu.memory_space<vmem>>
          %dma_wait3A_289 = tpu.memref_squeeze %dma_wait3A_288 : memref<1x128xi32, #tpu.memory_space<vmem>> -> memref<128xi32, #tpu.memory_space<vmem>>
          %dma_wait3A_290 = arith.constant 0 : i32
          %dma_wait3A_291 = arith.constant 0 : i32
          %dma_wait3A_292 = tpu.memref_slice %arg2[%dma_wait3A_290, %dma_wait3A_291] : memref<2600000x32xf32, #tpu.memory_space<hbm>> -> memref<2600000x32xf32, #tpu.memory_space<hbm>>
          tpu.wait_indirect_dma semaphore(%run_scoped3A_264 : memref<!tpu.dma_semaphore, #tpu.memory_space<semaphore_mem>>) src(%dma_wait3A_292 : memref<2600000x32xf32, #tpu.memory_space<hbm>>) dst(%dma_wait3A_282 : memref<128x32xf32, #tpu.memory_space<vmem>>)
          tpu.yield
        }) : () -> ()
        "tpu.trace_stop"() : () -> ()
        %ne3A_199 = arith.cmpi ne, %add3A_131, %add3A_149 : i32
        %or3A_200 = arith.constant false
        %or3A_201 = arith.ori %or3A_200, %ne3A_199 : i1
        %or3A_202 = arith.ori %or3A_201, %eq3A_130 : i1
        %convert_element_type3A_203 = arith.extui %or3A_202 : i1 to i32
        %cond3A_204 = arith.constant 0 : i32
        %cond3A_205 = arith.cmpi ne, %convert_element_type3A_203, %cond3A_204 : i32
        scf.if %cond3A_205 {
        } else {
        }
        %and3A_206 = arith.constant false
        %and3A_207 = arith.andi %or3A_202, %and3A_206 : i1
        %ne3A_208 = arith.cmpi ne, %add3A_131, %add3A_149 : i32
        %or3A_209 = arith.constant false
        %or3A_210 = arith.ori %or3A_209, %ne3A_208 : i1
        %or3A_211 = arith.constant false
        %or3A_212 = arith.ori %or3A_210, %or3A_211 : i1
        %or3A_213 = arith.ori %or3A_212, %eq3A_130 : i1
        %convert_element_type3A_214 = arith.extui %or3A_213 : i1 to i32
        %cond3A_215 = arith.constant 0 : i32
        %cond3A_216 = arith.cmpi ne, %convert_element_type3A_214, %cond3A_215 : i32
        scf.if %cond3A_216 {
          "tpu.trace_start"() <{level = 10 : i32, message = "ep_copy_out"}> : () -> ()
          %rem3A_264 = arith.constant 2 : i32
          %rem3A_265 = arith.remui %scan3A_124, %rem3A_264 : i32
          %mul3A_266 = arith.constant 128 : i32
          %mul3A_267 = arith.muli %mul3A_266, %add3A_131 : i32
          %dma_start3A_268 = arith.constant 0 : i32
          %dma_start3A_269 = arith.constant 0 : i32
          %dma_start3A_270 = tpu.memref_slice %run_scoped3A_8[%rem3A_265, %dma_start3A_268, %dma_start3A_269] : memref<2x128x32xf32, #tpu.memory_space<vmem>> -> memref<1x128x32xf32, #tpu.memory_space<vmem>>
          %dma_start3A_271 = tpu.memref_squeeze %dma_start3A_270 : memref<1x128x32xf32, #tpu.memory_space<vmem>> -> memref<128x32xf32, #tpu.memory_space<vmem>>
          %dma_start3A_272 = arith.constant 0 : i32
          %dma_start3A_273 = tpu.memref_slice %arg4[%mul3A_267, %dma_start3A_272] : memref<458752x32xf32, #tpu.memory_space<hbm>> -> memref<128x32xf32, #tpu.memory_space<hbm>>
          %dma_start3A_274 = tpu.memref_slice %run_scoped3A_9[%rem3A_265] : memref<2x!tpu.dma_semaphore, #tpu.memory_space<semaphore_mem>> -> memref<1x!tpu.dma_semaphore, #tpu.memory_space<semaphore_mem>>
          %dma_start3A_275 = tpu.memref_squeeze %dma_start3A_274 : memref<1x!tpu.dma_semaphore, #tpu.memory_space<semaphore_mem>> -> memref<!tpu.dma_semaphore, #tpu.memory_space<semaphore_mem>>
          %dma_start3A_276 = arith.constant 0 : i32
          %dma_start3A_277 = tpu.memref_slice %arg4[%mul3A_267, %dma_start3A_276] : memref<458752x32xf32, #tpu.memory_space<hbm>> -> memref<128x32xf32, #tpu.memory_space<hbm>>
          %dma_start3A_278 = arith.constant 0 : i32
          %dma_start3A_279 = arith.constant 0 : i32
          %dma_start3A_280 = tpu.memref_slice %run_scoped3A_8[%rem3A_265, %dma_start3A_278, %dma_start3A_279] : memref<2x128x32xf32, #tpu.memory_space<vmem>> -> memref<1x128x32xf32, #tpu.memory_space<vmem>>
          %dma_start3A_281 = tpu.memref_squeeze %dma_start3A_280 : memref<1x128x32xf32, #tpu.memory_space<vmem>> -> memref<128x32xf32, #tpu.memory_space<vmem>>
          tpu.enqueue_dma source(%dma_start3A_281 : memref<128x32xf32, #tpu.memory_space<vmem>>) target(%dma_start3A_277 : memref<128x32xf32, #tpu.memory_space<hbm>>) target_semaphore(%dma_start3A_275 : memref<!tpu.dma_semaphore, #tpu.memory_space<semaphore_mem>>)
          "tpu.trace_stop"() : () -> ()
        } else {
        }
        %and3A_217 = arith.constant true
        %and3A_218 = arith.andi %or3A_213, %and3A_217 : i1
        %add3A_219 = arith.constant 1 : i32
        %add3A_220 = arith.addi %scan3A_124, %add3A_219 : i32
        %select_n3A_221 = arith.select %and3A_218, %add3A_220, %scan3A_124 : i32
        %ne3A_222 = arith.cmpi ne, %add3A_131, %add3A_140 : i32
        %or3A_223 = arith.constant false
        %or3A_224 = arith.ori %or3A_223, %ne3A_222 : i1
        %not3A_225 = arith.constant true
        %not3A_226 = arith.xori %eq3A_128, %not3A_225 : i1
        %and3A_227 = arith.andi %or3A_224, %not3A_226 : i1
        %convert_element_type3A_228 = arith.extui %and3A_227 : i1 to i32
        %cond3A_229 = arith.constant 0 : i32
        %cond3A_230 = arith.cmpi ne, %convert_element_type3A_228, %cond3A_229 : i32
        scf.if %cond3A_230 {
        } else {
        }
        %and3A_231 = arith.constant false
        %and3A_232 = arith.andi %and3A_227, %and3A_231 : i1
        %ne3A_233 = arith.cmpi ne, %add3A_131, %add3A_140 : i32
        %or3A_234 = arith.constant false
        %or3A_235 = arith.ori %or3A_234, %ne3A_233 : i1
        %or3A_236 = arith.constant false
        %or3A_237 = arith.ori %or3A_235, %or3A_236 : i1
        %not3A_238 = arith.constant true
        %not3A_239 = arith.xori %eq3A_128, %not3A_238 : i1
        %and3A_240 = arith.andi %or3A_237, %not3A_239 : i1
        %convert_element_type3A_241 = arith.extui %and3A_240 : i1 to i32
        %cond3A_242 = arith.constant 0 : i32
        %cond3A_243 = arith.cmpi ne, %convert_element_type3A_241, %cond3A_242 : i32
        scf.if %cond3A_243 {
          "tpu.trace_start"() <{level = 10 : i32, message = "ep_wait_out"}> : () -> ()
          %rem3A_264 = arith.constant 2 : i32
          %rem3A_265 = arith.remui %scan3A_125, %rem3A_264 : i32
          %mul3A_266 = arith.constant 128 : i32
          %mul3A_267 = arith.muli %mul3A_266, %add3A_140 : i32
          %dma_wait3A_268 = arith.constant 0 : i32
          %dma_wait3A_269 = arith.constant 0 : i32
          %dma_wait3A_270 = tpu.memref_slice %run_scoped3A_8[%rem3A_265, %dma_wait3A_268, %dma_wait3A_269] : memref<2x128x32xf32, #tpu.memory_space<vmem>> -> memref<1x128x32xf32, #tpu.memory_space<vmem>>
          %dma_wait3A_271 = tpu.memref_squeeze %dma_wait3A_270 : memref<1x128x32xf32, #tpu.memory_space<vmem>> -> memref<128x32xf32, #tpu.memory_space<vmem>>
          %dma_wait3A_272 = arith.constant 0 : i32
          %dma_wait3A_273 = tpu.memref_slice %arg4[%mul3A_267, %dma_wait3A_272] : memref<458752x32xf32, #tpu.memory_space<hbm>> -> memref<128x32xf32, #tpu.memory_space<hbm>>
          %dma_wait3A_274 = tpu.memref_slice %run_scoped3A_9[%rem3A_265] : memref<2x!tpu.dma_semaphore, #tpu.memory_space<semaphore_mem>> -> memref<1x!tpu.dma_semaphore, #tpu.memory_space<semaphore_mem>>
          %dma_wait3A_275 = tpu.memref_squeeze %dma_wait3A_274 : memref<1x!tpu.dma_semaphore, #tpu.memory_space<semaphore_mem>> -> memref<!tpu.dma_semaphore, #tpu.memory_space<semaphore_mem>>
          %dma_wait3A_276 = arith.constant 0 : i32
          %dma_wait3A_277 = tpu.memref_slice %arg4[%mul3A_267, %dma_wait3A_276] : memref<458752x32xf32, #tpu.memory_space<hbm>> -> memref<128x32xf32, #tpu.memory_space<hbm>>
          %dma_wait3A_278 = arith.constant 0 : i32
          %dma_wait3A_279 = arith.constant 0 : i32
          %dma_wait3A_280 = tpu.memref_slice %run_scoped3A_8[%rem3A_265, %dma_wait3A_278, %dma_wait3A_279] : memref<2x128x32xf32, #tpu.memory_space<vmem>> -> memref<1x128x32xf32, #tpu.memory_space<vmem>>
          %dma_wait3A_281 = tpu.memref_squeeze %dma_wait3A_280 : memref<1x128x32xf32, #tpu.memory_space<vmem>> -> memref<128x32xf32, #tpu.memory_space<vmem>>
          tpu.wait_dma2 semaphore(%dma_wait3A_275 : memref<!tpu.dma_semaphore, #tpu.memory_space<semaphore_mem>>) src(%dma_wait3A_281 : memref<128x32xf32, #tpu.memory_space<vmem>>) dst(%dma_wait3A_277 : memref<128x32xf32, #tpu.memory_space<hbm>>)
          "tpu.trace_stop"() : () -> ()
        } else {
        }
        %and3A_244 = arith.constant true
        %and3A_245 = arith.andi %and3A_240, %and3A_244 : i1
        %add3A_246 = arith.constant 1 : i32
        %add3A_247 = arith.addi %scan3A_125, %add3A_246 : i32
        %select_n3A_248 = arith.select %and3A_245, %add3A_247, %scan3A_125 : i32
        %ne3A_249 = arith.cmpi ne, %add3A_131, %add3A_149 : i32
        %or3A_250 = arith.constant false
        %or3A_251 = arith.ori %or3A_250, %ne3A_249 : i1
        %or3A_252 = arith.ori %or3A_251, %eq3A_130 : i1
        %add3A_253 = arith.constant 1 : i32
        %add3A_254 = arith.addi %scan3A_123, %add3A_253 : i32
        %select_n3A_255 = arith.select %or3A_252, %add3A_254, %scan3A_123 : i32
        %add3A_256 = arith.constant 1 : i32
        %add3A_257 = arith.addi %scan3A_126, %add3A_256 : i32
        %select_n3A_258 = arith.constant true
        %select_n3A_259 = arith.select %select_n3A_258, %add3A_257, %scan3A_126 : i32
        %eq3A_260 = arith.constant 112 : i32
        %eq3A_261 = arith.cmpi eq, %select_n3A_259, %eq3A_260 : i32
        %select_n3A_262 = arith.constant 0 : i32
        %select_n3A_263 = arith.select %eq3A_261, %select_n3A_262, %select_n3A_259 : i32
        scf.yield %select_n3A_167, %select_n3A_255, %select_n3A_221, %select_n3A_248, %select_n3A_263 : i32, i32, i32, i32, i32
      }
      %scan3A_68 = arith.constant 112 : i32
      %sub3A = arith.constant 1 : i32
      %sub3A_69 = arith.subi %scan3A_67#4, %sub3A : i32
      %select_n3A_70 = arith.constant true
      %select_n3A_71 = arith.select %select_n3A_70, %sub3A_69, %scan3A_67#4 : i32
      %eq3A_72 = arith.constant -1 : i32
      %eq3A_73 = arith.cmpi eq, %select_n3A_71, %eq3A_72 : i32
      %select_n3A_74 = arith.constant 111 : i32
      %select_n3A_75 = arith.select %eq3A_73, %select_n3A_74, %select_n3A_71 : i32
      %add3A_76 = arith.addi %select_n3A_75, %mul3A_6 : i32
      %sub3A_77 = arith.constant 1 : i32
      %sub3A_78 = arith.subi %select_n3A_75, %sub3A_77 : i32
      %select_n3A_79 = arith.constant true
      %select_n3A_80 = arith.select %select_n3A_79, %sub3A_78, %select_n3A_75 : i32
      %eq3A_81 = arith.constant -1 : i32
      %eq3A_82 = arith.cmpi eq, %select_n3A_80, %eq3A_81 : i32
      %select_n3A_83 = arith.constant 111 : i32
      %select_n3A_84 = arith.select %eq3A_82, %select_n3A_83, %select_n3A_80 : i32
      %add3A_85 = arith.addi %select_n3A_84, %mul3A_6 : i32
      %add3A_86 = arith.constant 1 : i32
      %add3A_87 = arith.addi %select_n3A_75, %add3A_86 : i32
      %select_n3A_88 = arith.constant true
      %select_n3A_89 = arith.select %select_n3A_88, %add3A_87, %select_n3A_75 : i32
      %eq3A_90 = arith.constant 112 : i32
      %eq3A_91 = arith.cmpi eq, %select_n3A_89, %eq3A_90 : i32
      %select_n3A_92 = arith.constant 0 : i32
      %select_n3A_93 = arith.select %eq3A_91, %select_n3A_92, %select_n3A_89 : i32
      %add3A_94 = arith.addi %select_n3A_93, %mul3A_6 : i32
      %add3A_95 = arith.constant 1 : i32
      %add3A_96 = arith.addi %select_n3A_93, %add3A_95 : i32
      %select_n3A_97 = arith.constant true
      %select_n3A_98 = arith.select %select_n3A_97, %add3A_96, %select_n3A_93 : i32
      %eq3A_99 = arith.constant 112 : i32
      %eq3A_100 = arith.cmpi eq, %select_n3A_98, %eq3A_99 : i32
      %select_n3A_101 = arith.constant 0 : i32
      %select_n3A_102 = arith.select %eq3A_100, %select_n3A_101, %select_n3A_98 : i32
      %add3A_103 = arith.addi %select_n3A_102, %mul3A_6 : i32
      "tpu.trace_start"() <{level = 10 : i32, message = "ep_finalize"}> : () -> ()
      %rem3A_104 = arith.constant 2 : i32
      %rem3A_105 = arith.remui %scan3A_67#3, %rem3A_104 : i32
      %mul3A_106 = arith.constant 128 : i32
      %mul3A_107 = arith.muli %mul3A_106, %add3A_76 : i32
      %dma_wait3A = arith.constant 0 : i32
      %dma_wait3A_108 = arith.constant 0 : i32
      %dma_wait3A_109 = tpu.memref_slice %run_scoped3A_8[%rem3A_105, %dma_wait3A, %dma_wait3A_108] : memref<2x128x32xf32, #tpu.memory_space<vmem>> -> memref<1x128x32xf32, #tpu.memory_space<vmem>>
      %dma_wait3A_110 = tpu.memref_squeeze %dma_wait3A_109 : memref<1x128x32xf32, #tpu.memory_space<vmem>> -> memref<128x32xf32, #tpu.memory_space<vmem>>
      %dma_wait3A_111 = arith.constant 0 : i32
      %dma_wait3A_112 = tpu.memref_slice %arg4[%mul3A_107, %dma_wait3A_111] : memref<458752x32xf32, #tpu.memory_space<hbm>> -> memref<128x32xf32, #tpu.memory_space<hbm>>
      %dma_wait3A_113 = tpu.memref_slice %run_scoped3A_9[%rem3A_105] : memref<2x!tpu.dma_semaphore, #tpu.memory_space<semaphore_mem>> -> memref<1x!tpu.dma_semaphore, #tpu.memory_space<semaphore_mem>>
      %dma_wait3A_114 = tpu.memref_squeeze %dma_wait3A_113 : memref<1x!tpu.dma_semaphore, #tpu.memory_space<semaphore_mem>> -> memref<!tpu.dma_semaphore, #tpu.memory_space<semaphore_mem>>
      %dma_wait3A_115 = arith.constant 0 : i32
      %dma_wait3A_116 = tpu.memref_slice %arg4[%mul3A_107, %dma_wait3A_115] : memref<458752x32xf32, #tpu.memory_space<hbm>> -> memref<128x32xf32, #tpu.memory_space<hbm>>
      %dma_wait3A_117 = arith.constant 0 : i32
      %dma_wait3A_118 = arith.constant 0 : i32
      %dma_wait3A_119 = tpu.memref_slice %run_scoped3A_8[%rem3A_105, %dma_wait3A_117, %dma_wait3A_118] : memref<2x128x32xf32, #tpu.memory_space<vmem>> -> memref<1x128x32xf32, #tpu.memory_space<vmem>>
      %dma_wait3A_120 = tpu.memref_squeeze %dma_wait3A_119 : memref<1x128x32xf32, #tpu.memory_space<vmem>> -> memref<128x32xf32, #tpu.memory_space<vmem>>
      tpu.wait_dma2 semaphore(%dma_wait3A_114 : memref<!tpu.dma_semaphore, #tpu.memory_space<semaphore_mem>>) src(%dma_wait3A_120 : memref<128x32xf32, #tpu.memory_space<vmem>>) dst(%dma_wait3A_116 : memref<128x32xf32, #tpu.memory_space<hbm>>)
      "tpu.trace_stop"() : () -> ()
      tpu.yield
    }) : () -> ()
    return
  }
}

module attributes {stable_mosaic.version = 14 : i64} {
  func.func @body(%arg0: i32, %arg1: memref<1x32x100000xf32, #tpu.memory_space<vmem>>, %arg2: memref<25000x128xf32, #tpu.memory_space<vmem>>) attributes {dimension_semantics = [#tpu.dimension_semantics<parallel>], iteration_bounds = array<i64: 26>, scalar_prefetch = 0 : i64, scratch_operands = 0 : i64, tpu.core_type = #tpu.core_type<tc>, window_params = [{transform_indices = @transform_0, window_bounds = array<i64: 1, 32, 100000>}, {transform_indices = @transform_1, window_bounds = array<i64: 25000, 128>}]} {
    %get3A = arith.constant 0 : index
    %get3A_0 = arith.constant 0 : index
    %get3A_1 = arith.constant 0 : index
    %get3A_2 = vector.load %arg1[%get3A, %get3A_0, %get3A_1] : memref<1x32x100000xf32, #tpu.memory_space<vmem>>, vector<1x32x5000xf32>
    %get3A_3 = vector.shape_cast %get3A_2 : vector<1x32x5000xf32> to vector<32x5000xf32>
    %get3A_4 = arith.constant 0 : index
    %get3A_5 = arith.constant 0 : index
    %get3A_6 = arith.constant 5000 : index
    %get3A_7 = vector.load %arg1[%get3A_4, %get3A_5, %get3A_6] : memref<1x32x100000xf32, #tpu.memory_space<vmem>>, vector<1x32x5000xf32>
    %get3A_8 = vector.shape_cast %get3A_7 : vector<1x32x5000xf32> to vector<32x5000xf32>
    %get3A_9 = arith.constant 0 : index
    %get3A_10 = arith.constant 0 : index
    %get3A_11 = arith.constant 10000 : index
    %get3A_12 = vector.load %arg1[%get3A_9, %get3A_10, %get3A_11] : memref<1x32x100000xf32, #tpu.memory_space<vmem>>, vector<1x32x5000xf32>
    %get3A_13 = vector.shape_cast %get3A_12 : vector<1x32x5000xf32> to vector<32x5000xf32>
    %get3A_14 = arith.constant 0 : index
    %get3A_15 = arith.constant 0 : index
    %get3A_16 = arith.constant 15000 : index
    %get3A_17 = vector.load %arg1[%get3A_14, %get3A_15, %get3A_16] : memref<1x32x100000xf32, #tpu.memory_space<vmem>>, vector<1x32x5000xf32>
    %get3A_18 = vector.shape_cast %get3A_17 : vector<1x32x5000xf32> to vector<32x5000xf32>
    %concatenate3A = tpu.concatenate %get3A_3, %get3A_8, %get3A_13, %get3A_18 in 0 : vector<32x5000xf32>, vector<32x5000xf32>, vector<32x5000xf32>, vector<32x5000xf32> -> vector<128x5000xf32>
    %transpose3A = tpu.transpose %concatenate3A, [1, 0] : vector<128x5000xf32> -> vector<5000x128xf32>
    %swap3A = arith.constant 0 : index
    %swap3A_19 = arith.constant 0 : index
    %swap3A_20 = vector.load %arg2[%swap3A, %swap3A_19] : memref<25000x128xf32, #tpu.memory_space<vmem>>, vector<5000x128xf32>
    tpu.vector_store %arg2[%swap3A, %swap3A_19], %transpose3A {strides = array<i32>} : memref<25000x128xf32, #tpu.memory_space<vmem>>, vector<5000x128xf32>,
    %get3A_21 = arith.constant 0 : index
    %get3A_22 = arith.constant 0 : index
    %get3A_23 = arith.constant 20000 : index
    %get3A_24 = vector.load %arg1[%get3A_21, %get3A_22, %get3A_23] : memref<1x32x100000xf32, #tpu.memory_space<vmem>>, vector<1x32x5000xf32>
    %get3A_25 = vector.shape_cast %get3A_24 : vector<1x32x5000xf32> to vector<32x5000xf32>
    %get3A_26 = arith.constant 0 : index
    %get3A_27 = arith.constant 0 : index
    %get3A_28 = arith.constant 25000 : index
    %get3A_29 = vector.load %arg1[%get3A_26, %get3A_27, %get3A_28] : memref<1x32x100000xf32, #tpu.memory_space<vmem>>, vector<1x32x5000xf32>
    %get3A_30 = vector.shape_cast %get3A_29 : vector<1x32x5000xf32> to vector<32x5000xf32>
    %get3A_31 = arith.constant 0 : index
    %get3A_32 = arith.constant 0 : index
    %get3A_33 = arith.constant 30000 : index
    %get3A_34 = vector.load %arg1[%get3A_31, %get3A_32, %get3A_33] : memref<1x32x100000xf32, #tpu.memory_space<vmem>>, vector<1x32x5000xf32>
    %get3A_35 = vector.shape_cast %get3A_34 : vector<1x32x5000xf32> to vector<32x5000xf32>
    %get3A_36 = arith.constant 0 : index
    %get3A_37 = arith.constant 0 : index
    %get3A_38 = arith.constant 35000 : index
    %get3A_39 = vector.load %arg1[%get3A_36, %get3A_37, %get3A_38] : memref<1x32x100000xf32, #tpu.memory_space<vmem>>, vector<1x32x5000xf32>
    %get3A_40 = vector.shape_cast %get3A_39 : vector<1x32x5000xf32> to vector<32x5000xf32>
    %concatenate3A_41 = tpu.concatenate %get3A_25, %get3A_30, %get3A_35, %get3A_40 in 0 : vector<32x5000xf32>, vector<32x5000xf32>, vector<32x5000xf32>, vector<32x5000xf32> -> vector<128x5000xf32>
    %transpose3A_42 = tpu.transpose %concatenate3A_41, [1, 0] : vector<128x5000xf32> -> vector<5000x128xf32>
    %swap3A_43 = arith.constant 5000 : index
    %swap3A_44 = arith.constant 0 : index
    %swap3A_45 = vector.load %arg2[%swap3A_43, %swap3A_44] : memref<25000x128xf32, #tpu.memory_space<vmem>>, vector<5000x128xf32>
    tpu.vector_store %arg2[%swap3A_43, %swap3A_44], %transpose3A_42 {strides = array<i32>} : memref<25000x128xf32, #tpu.memory_space<vmem>>, vector<5000x128xf32>,
    %get3A_46 = arith.constant 0 : index
    %get3A_47 = arith.constant 0 : index
    %get3A_48 = arith.constant 40000 : index
    %get3A_49 = vector.load %arg1[%get3A_46, %get3A_47, %get3A_48] : memref<1x32x100000xf32, #tpu.memory_space<vmem>>, vector<1x32x5000xf32>
    %get3A_50 = vector.shape_cast %get3A_49 : vector<1x32x5000xf32> to vector<32x5000xf32>
    %get3A_51 = arith.constant 0 : index
    %get3A_52 = arith.constant 0 : index
    %get3A_53 = arith.constant 45000 : index
    %get3A_54 = vector.load %arg1[%get3A_51, %get3A_52, %get3A_53] : memref<1x32x100000xf32, #tpu.memory_space<vmem>>, vector<1x32x5000xf32>
    %get3A_55 = vector.shape_cast %get3A_54 : vector<1x32x5000xf32> to vector<32x5000xf32>
    %get3A_56 = arith.constant 0 : index
    %get3A_57 = arith.constant 0 : index
    %get3A_58 = arith.constant 50000 : index
    %get3A_59 = vector.load %arg1[%get3A_56, %get3A_57, %get3A_58] : memref<1x32x100000xf32, #tpu.memory_space<vmem>>, vector<1x32x5000xf32>
    %get3A_60 = vector.shape_cast %get3A_59 : vector<1x32x5000xf32> to vector<32x5000xf32>
    %get3A_61 = arith.constant 0 : index
    %get3A_62 = arith.constant 0 : index
    %get3A_63 = arith.constant 55000 : index
    %get3A_64 = vector.load %arg1[%get3A_61, %get3A_62, %get3A_63] : memref<1x32x100000xf32, #tpu.memory_space<vmem>>, vector<1x32x5000xf32>
    %get3A_65 = vector.shape_cast %get3A_64 : vector<1x32x5000xf32> to vector<32x5000xf32>
    %concatenate3A_66 = tpu.concatenate %get3A_50, %get3A_55, %get3A_60, %get3A_65 in 0 : vector<32x5000xf32>, vector<32x5000xf32>, vector<32x5000xf32>, vector<32x5000xf32> -> vector<128x5000xf32>
    %transpose3A_67 = tpu.transpose %concatenate3A_66, [1, 0] : vector<128x5000xf32> -> vector<5000x128xf32>
    %swap3A_68 = arith.constant 10000 : index
    %swap3A_69 = arith.constant 0 : index
    %swap3A_70 = vector.load %arg2[%swap3A_68, %swap3A_69] : memref<25000x128xf32, #tpu.memory_space<vmem>>, vector<5000x128xf32>
    tpu.vector_store %arg2[%swap3A_68, %swap3A_69], %transpose3A_67 {strides = array<i32>} : memref<25000x128xf32, #tpu.memory_space<vmem>>, vector<5000x128xf32>,
    %get3A_71 = arith.constant 0 : index
    %get3A_72 = arith.constant 0 : index
    %get3A_73 = arith.constant 60000 : index
    %get3A_74 = vector.load %arg1[%get3A_71, %get3A_72, %get3A_73] : memref<1x32x100000xf32, #tpu.memory_space<vmem>>, vector<1x32x5000xf32>
    %get3A_75 = vector.shape_cast %get3A_74 : vector<1x32x5000xf32> to vector<32x5000xf32>
    %get3A_76 = arith.constant 0 : index
    %get3A_77 = arith.constant 0 : index
    %get3A_78 = arith.constant 65000 : index
    %get3A_79 = vector.load %arg1[%get3A_76, %get3A_77, %get3A_78] : memref<1x32x100000xf32, #tpu.memory_space<vmem>>, vector<1x32x5000xf32>
    %get3A_80 = vector.shape_cast %get3A_79 : vector<1x32x5000xf32> to vector<32x5000xf32>
    %get3A_81 = arith.constant 0 : index
    %get3A_82 = arith.constant 0 : index
    %get3A_83 = arith.constant 70000 : index
    %get3A_84 = vector.load %arg1[%get3A_81, %get3A_82, %get3A_83] : memref<1x32x100000xf32, #tpu.memory_space<vmem>>, vector<1x32x5000xf32>
    %get3A_85 = vector.shape_cast %get3A_84 : vector<1x32x5000xf32> to vector<32x5000xf32>
    %get3A_86 = arith.constant 0 : index
    %get3A_87 = arith.constant 0 : index
    %get3A_88 = arith.constant 75000 : index
    %get3A_89 = vector.load %arg1[%get3A_86, %get3A_87, %get3A_88] : memref<1x32x100000xf32, #tpu.memory_space<vmem>>, vector<1x32x5000xf32>
    %get3A_90 = vector.shape_cast %get3A_89 : vector<1x32x5000xf32> to vector<32x5000xf32>
    %concatenate3A_91 = tpu.concatenate %get3A_75, %get3A_80, %get3A_85, %get3A_90 in 0 : vector<32x5000xf32>, vector<32x5000xf32>, vector<32x5000xf32>, vector<32x5000xf32> -> vector<128x5000xf32>
    %transpose3A_92 = tpu.transpose %concatenate3A_91, [1, 0] : vector<128x5000xf32> -> vector<5000x128xf32>
    %swap3A_93 = arith.constant 15000 : index
    %swap3A_94 = arith.constant 0 : index
    %swap3A_95 = vector.load %arg2[%swap3A_93, %swap3A_94] : memref<25000x128xf32, #tpu.memory_space<vmem>>, vector<5000x128xf32>
    tpu.vector_store %arg2[%swap3A_93, %swap3A_94], %transpose3A_92 {strides = array<i32>} : memref<25000x128xf32, #tpu.memory_space<vmem>>, vector<5000x128xf32>,
    %get3A_96 = arith.constant 0 : index
    %get3A_97 = arith.constant 0 : index
    %get3A_98 = arith.constant 80000 : index
    %get3A_99 = vector.load %arg1[%get3A_96, %get3A_97, %get3A_98] : memref<1x32x100000xf32, #tpu.memory_space<vmem>>, vector<1x32x5000xf32>
    %get3A_100 = vector.shape_cast %get3A_99 : vector<1x32x5000xf32> to vector<32x5000xf32>
    %get3A_101 = arith.constant 0 : index
    %get3A_102 = arith.constant 0 : index
    %get3A_103 = arith.constant 85000 : index
    %get3A_104 = vector.load %arg1[%get3A_101, %get3A_102, %get3A_103] : memref<1x32x100000xf32, #tpu.memory_space<vmem>>, vector<1x32x5000xf32>
    %get3A_105 = vector.shape_cast %get3A_104 : vector<1x32x5000xf32> to vector<32x5000xf32>
    %get3A_106 = arith.constant 0 : index
    %get3A_107 = arith.constant 0 : index
    %get3A_108 = arith.constant 90000 : index
    %get3A_109 = vector.load %arg1[%get3A_106, %get3A_107, %get3A_108] : memref<1x32x100000xf32, #tpu.memory_space<vmem>>, vector<1x32x5000xf32>
    %get3A_110 = vector.shape_cast %get3A_109 : vector<1x32x5000xf32> to vector<32x5000xf32>
    %get3A_111 = arith.constant 0 : index
    %get3A_112 = arith.constant 0 : index
    %get3A_113 = arith.constant 95000 : index
    %get3A_114 = vector.load %arg1[%get3A_111, %get3A_112, %get3A_113] : memref<1x32x100000xf32, #tpu.memory_space<vmem>>, vector<1x32x5000xf32>
    %get3A_115 = vector.shape_cast %get3A_114 : vector<1x32x5000xf32> to vector<32x5000xf32>
    %concatenate3A_116 = tpu.concatenate %get3A_100, %get3A_105, %get3A_110, %get3A_115 in 0 : vector<32x5000xf32>, vector<32x5000xf32>, vector<32x5000xf32>, vector<32x5000xf32> -> vector<128x5000xf32>
    %transpose3A_117 = tpu.transpose %concatenate3A_116, [1, 0] : vector<128x5000xf32> -> vector<5000x128xf32>
    %swap3A_118 = arith.constant 20000 : index
    %swap3A_119 = arith.constant 0 : index
    %swap3A_120 = vector.load %arg2[%swap3A_118, %swap3A_119] : memref<25000x128xf32, #tpu.memory_space<vmem>>, vector<5000x128xf32>
    tpu.vector_store %arg2[%swap3A_118, %swap3A_119], %transpose3A_117 {strides = array<i32>} : memref<25000x128xf32, #tpu.memory_space<vmem>>, vector<5000x128xf32>,
    return
  }
  func.func @transform_0(%arg0: i32) -> (i32, i32, i32) {
    %c0_i32 = arith.constant 0 : i32
    %c0_i32_0 = arith.constant 0 : i32
    %c0_i32_1 = arith.constant 0 : i32
    return %arg0, %c0_i32, %c0_i32_0 : i32, i32, i32
  }
  func.func @transform_1(%arg0: i32) -> (i32, i32) {
    %c0_i32 = arith.constant 0 : i32
    %c0_i32_0 = arith.constant 0 : i32
    return %arg0, %c0_i32 : i32, i32
  }
}

module attributes {stable_mosaic.version = 14 : i64} {
  func.func @_mlp_body(%arg0: i32, %arg1: memref<7168x128xf32, #tpu.memory_space<vmem>>, %arg2: memref<1024x13xf32, #tpu.memory_space<vmem>>, %arg3: memref<896x256xf32, #tpu.memory_space<vmem>>, %arg4: memref<13x256xf32, #tpu.memory_space<vmem>>, %arg5: memref<1x256xf32, #tpu.memory_space<vmem>>, %arg6: memref<1x256xf32, #tpu.memory_space<vmem>>, %arg7: memref<1x256xf32, #tpu.memory_space<vmem>>, %arg8: memref<256x128xf32, #tpu.memory_space<vmem>>, %arg9: memref<1x128xf32, #tpu.memory_space<vmem>>, %arg10: memref<1x128xf32, #tpu.memory_space<vmem>>, %arg11: memref<1x128xf32, #tpu.memory_space<vmem>>, %arg12: memref<128x64xf32, #tpu.memory_space<vmem>>, %arg13: memref<1x64xf32, #tpu.memory_space<vmem>>, %arg14: memref<1x64xf32, #tpu.memory_space<vmem>>, %arg15: memref<1x64xf32, #tpu.memory_space<vmem>>, %arg16: memref<64x1xf32, #tpu.memory_space<vmem>>, %arg17: memref<1x1xf32, #tpu.memory_space<vmem>>, %arg18: memref<1024x1xf32, #tpu.memory_space<vmem>>) attributes {dimension_semantics = [#tpu.dimension_semantics<parallel>], iteration_bounds = array<i64: 16>, scalar_prefetch = 0 : i64, scratch_operands = 0 : i64, tpu.core_type = #tpu.core_type<tc>, window_params = [{transform_indices = @transform_0, window_bounds = array<i64: 7168, 128>}, {transform_indices = @transform_1, window_bounds = array<i64: 1024, 13>}, {pipeline_mode = #tpu.pipeline_mode<synchronous>, transform_indices = @transform_2, window_bounds = array<i64: 896, 256>}, {pipeline_mode = #tpu.pipeline_mode<synchronous>, transform_indices = @transform_3, window_bounds = array<i64: 13, 256>}, {pipeline_mode = #tpu.pipeline_mode<synchronous>, transform_indices = @transform_4, window_bounds = array<i64: 1, 256>}, {pipeline_mode = #tpu.pipeline_mode<synchronous>, transform_indices = @transform_5, window_bounds = array<i64: 1, 256>}, {pipeline_mode = #tpu.pipeline_mode<synchronous>, transform_indices = @transform_6, window_bounds = array<i64: 1, 256>}, {pipeline_mode = #tpu.pipeline_mode<synchronous>, transform_indices = @transform_7, window_bounds = array<i64: 256, 128>}, {pipeline_mode = #tpu.pipeline_mode<synchronous>, transform_indices = @transform_8, window_bounds = array<i64: 1, 128>}, {pipeline_mode = #tpu.pipeline_mode<synchronous>, transform_indices = @transform_9, window_bounds = array<i64: 1, 128>}, {pipeline_mode = #tpu.pipeline_mode<synchronous>, transform_indices = @transform_10, window_bounds = array<i64: 1, 128>}, {pipeline_mode = #tpu.pipeline_mode<synchronous>, transform_indices = @transform_11, window_bounds = array<i64: 128, 64>}, {pipeline_mode = #tpu.pipeline_mode<synchronous>, transform_indices = @transform_12, window_bounds = array<i64: 1, 64>}, {pipeline_mode = #tpu.pipeline_mode<synchronous>, transform_indices = @transform_13, window_bounds = array<i64: 1, 64>}, {pipeline_mode = #tpu.pipeline_mode<synchronous>, transform_indices = @transform_14, window_bounds = array<i64: 1, 64>}, {pipeline_mode = #tpu.pipeline_mode<synchronous>, transform_indices = @transform_15, window_bounds = array<i64: 64, 1>}, {pipeline_mode = #tpu.pipeline_mode<synchronous>, transform_indices = @transform_16, window_bounds = array<i64: 1, 1>}, {transform_indices = @transform_17, window_bounds = array<i64: 1024, 1>}]} {
    %get3A = arith.constant 0 : index
    %get3A_0 = arith.constant 0 : index
    %get3A_1 = vector.load %arg1[%get3A, %get3A_0] : memref<7168x128xf32, #tpu.memory_space<vmem>>, vector<7168x128xf32>
    %reshape3A = vector.shape_cast %get3A_1 : vector<7168x128xf32> to vector<1024x7x128xf32>
    %get3A_2 = arith.constant 0 : index
    %get3A_3 = arith.constant 0 : index
    %get3A_4 = vector.load %arg2[%get3A_2, %get3A_3] : memref<1024x13xf32, #tpu.memory_space<vmem>>, vector<1024x13xf32>
    %get3A_5 = arith.constant 0 : index
    %get3A_6 = arith.constant 0 : index
    %get3A_7 = vector.load %arg4[%get3A_5, %get3A_6] : memref<13x256xf32, #tpu.memory_space<vmem>>, vector<13x256xf32>
    %dot_general3A = arith.constant dense<0.000000e+00> : vector<1024x256xf32>
    %dot_general3A_8 = tpu.matmul %get3A_4, %get3A_7, %dot_general3A {dimension_numbers = #tpu.dot_dimension_numbers<[1], [0], [0], [1], [0, 0, 1, 1], [], []>, transpose_lhs_hint = false} : vector<1024x13xf32>, vector<13x256xf32>, vector<1024x256xf32> -> vector<1024x256xf32>
    %slice3A = vector.extract_strided_slice %reshape3A {offsets = [0, 0, 0], sizes = [1024, 1, 128], strides = [1, 1, 1]} : vector<1024x7x128xf32> to vector<1024x1x128xf32>
    %squeeze3A = vector.shape_cast %slice3A : vector<1024x1x128xf32> to vector<1024x128xf32>
    %get3A_9 = arith.constant 0 : index
    %get3A_10 = arith.constant 0 : index
    %get3A_11 = vector.load %arg3[%get3A_9, %get3A_10] : memref<896x256xf32, #tpu.memory_space<vmem>>, vector<128x256xf32>
    %dot_general3A_12 = arith.constant dense<0.000000e+00> : vector<1024x256xf32>
    %dot_general3A_13 = tpu.matmul %squeeze3A, %get3A_11, %dot_general3A_12 {dimension_numbers = #tpu.dot_dimension_numbers<[1], [0], [0], [1], [0, 0, 1, 1], [], []>, transpose_lhs_hint = false} : vector<1024x128xf32>, vector<128x256xf32>, vector<1024x256xf32> -> vector<1024x256xf32>
    %add3A = arith.addf %dot_general3A_8, %dot_general3A_13 : vector<1024x256xf32>
    %slice3A_14 = vector.extract_strided_slice %reshape3A {offsets = [0, 1, 0], sizes = [1024, 1, 128], strides = [1, 1, 1]} : vector<1024x7x128xf32> to vector<1024x1x128xf32>
    %squeeze3A_15 = vector.shape_cast %slice3A_14 : vector<1024x1x128xf32> to vector<1024x128xf32>
    %get3A_16 = arith.constant 128 : index
    %get3A_17 = arith.constant 0 : index
    %get3A_18 = vector.load %arg3[%get3A_16, %get3A_17] : memref<896x256xf32, #tpu.memory_space<vmem>>, vector<128x256xf32>
    %dot_general3A_19 = arith.constant dense<0.000000e+00> : vector<1024x256xf32>
    %dot_general3A_20 = tpu.matmul %squeeze3A_15, %get3A_18, %dot_general3A_19 {dimension_numbers = #tpu.dot_dimension_numbers<[1], [0], [0], [1], [0, 0, 1, 1], [], []>, transpose_lhs_hint = false} : vector<1024x128xf32>, vector<128x256xf32>, vector<1024x256xf32> -> vector<1024x256xf32>
    %add3A_21 = arith.addf %add3A, %dot_general3A_20 : vector<1024x256xf32>
    %slice3A_22 = vector.extract_strided_slice %reshape3A {offsets = [0, 2, 0], sizes = [1024, 1, 128], strides = [1, 1, 1]} : vector<1024x7x128xf32> to vector<1024x1x128xf32>
    %squeeze3A_23 = vector.shape_cast %slice3A_22 : vector<1024x1x128xf32> to vector<1024x128xf32>
    %get3A_24 = arith.constant 256 : index
    %get3A_25 = arith.constant 0 : index
    %get3A_26 = vector.load %arg3[%get3A_24, %get3A_25] : memref<896x256xf32, #tpu.memory_space<vmem>>, vector<128x256xf32>
    %dot_general3A_27 = arith.constant dense<0.000000e+00> : vector<1024x256xf32>
    %dot_general3A_28 = tpu.matmul %squeeze3A_23, %get3A_26, %dot_general3A_27 {dimension_numbers = #tpu.dot_dimension_numbers<[1], [0], [0], [1], [0, 0, 1, 1], [], []>, transpose_lhs_hint = false} : vector<1024x128xf32>, vector<128x256xf32>, vector<1024x256xf32> -> vector<1024x256xf32>
    %add3A_29 = arith.addf %add3A_21, %dot_general3A_28 : vector<1024x256xf32>
    %slice3A_30 = vector.extract_strided_slice %reshape3A {offsets = [0, 3, 0], sizes = [1024, 1, 128], strides = [1, 1, 1]} : vector<1024x7x128xf32> to vector<1024x1x128xf32>
    %squeeze3A_31 = vector.shape_cast %slice3A_30 : vector<1024x1x128xf32> to vector<1024x128xf32>
    %get3A_32 = arith.constant 384 : index
    %get3A_33 = arith.constant 0 : index
    %get3A_34 = vector.load %arg3[%get3A_32, %get3A_33] : memref<896x256xf32, #tpu.memory_space<vmem>>, vector<128x256xf32>
    %dot_general3A_35 = arith.constant dense<0.000000e+00> : vector<1024x256xf32>
    %dot_general3A_36 = tpu.matmul %squeeze3A_31, %get3A_34, %dot_general3A_35 {dimension_numbers = #tpu.dot_dimension_numbers<[1], [0], [0], [1], [0, 0, 1, 1], [], []>, transpose_lhs_hint = false} : vector<1024x128xf32>, vector<128x256xf32>, vector<1024x256xf32> -> vector<1024x256xf32>
    %add3A_37 = arith.addf %add3A_29, %dot_general3A_36 : vector<1024x256xf32>
    %slice3A_38 = vector.extract_strided_slice %reshape3A {offsets = [0, 4, 0], sizes = [1024, 1, 128], strides = [1, 1, 1]} : vector<1024x7x128xf32> to vector<1024x1x128xf32>
    %squeeze3A_39 = vector.shape_cast %slice3A_38 : vector<1024x1x128xf32> to vector<1024x128xf32>
    %get3A_40 = arith.constant 512 : index
    %get3A_41 = arith.constant 0 : index
    %get3A_42 = vector.load %arg3[%get3A_40, %get3A_41] : memref<896x256xf32, #tpu.memory_space<vmem>>, vector<128x256xf32>
    %dot_general3A_43 = arith.constant dense<0.000000e+00> : vector<1024x256xf32>
    %dot_general3A_44 = tpu.matmul %squeeze3A_39, %get3A_42, %dot_general3A_43 {dimension_numbers = #tpu.dot_dimension_numbers<[1], [0], [0], [1], [0, 0, 1, 1], [], []>, transpose_lhs_hint = false} : vector<1024x128xf32>, vector<128x256xf32>, vector<1024x256xf32> -> vector<1024x256xf32>
    %add3A_45 = arith.addf %add3A_37, %dot_general3A_44 : vector<1024x256xf32>
    %slice3A_46 = vector.extract_strided_slice %reshape3A {offsets = [0, 5, 0], sizes = [1024, 1, 128], strides = [1, 1, 1]} : vector<1024x7x128xf32> to vector<1024x1x128xf32>
    %squeeze3A_47 = vector.shape_cast %slice3A_46 : vector<1024x1x128xf32> to vector<1024x128xf32>
    %get3A_48 = arith.constant 640 : index
    %get3A_49 = arith.constant 0 : index
    %get3A_50 = vector.load %arg3[%get3A_48, %get3A_49] : memref<896x256xf32, #tpu.memory_space<vmem>>, vector<128x256xf32>
    %dot_general3A_51 = arith.constant dense<0.000000e+00> : vector<1024x256xf32>
    %dot_general3A_52 = tpu.matmul %squeeze3A_47, %get3A_50, %dot_general3A_51 {dimension_numbers = #tpu.dot_dimension_numbers<[1], [0], [0], [1], [0, 0, 1, 1], [], []>, transpose_lhs_hint = false} : vector<1024x128xf32>, vector<128x256xf32>, vector<1024x256xf32> -> vector<1024x256xf32>
    %add3A_53 = arith.addf %add3A_45, %dot_general3A_52 : vector<1024x256xf32>
    %slice3A_54 = vector.extract_strided_slice %reshape3A {offsets = [0, 6, 0], sizes = [1024, 1, 128], strides = [1, 1, 1]} : vector<1024x7x128xf32> to vector<1024x1x128xf32>
    %squeeze3A_55 = vector.shape_cast %slice3A_54 : vector<1024x1x128xf32> to vector<1024x128xf32>
    %get3A_56 = arith.constant 768 : index
    %get3A_57 = arith.constant 0 : index
    %get3A_58 = vector.load %arg3[%get3A_56, %get3A_57] : memref<896x256xf32, #tpu.memory_space<vmem>>, vector<128x256xf32>
    %dot_general3A_59 = arith.constant dense<0.000000e+00> : vector<1024x256xf32>
    %dot_general3A_60 = tpu.matmul %squeeze3A_55, %get3A_58, %dot_general3A_59 {dimension_numbers = #tpu.dot_dimension_numbers<[1], [0], [0], [1], [0, 0, 1, 1], [], []>, transpose_lhs_hint = false} : vector<1024x128xf32>, vector<128x256xf32>, vector<1024x256xf32> -> vector<1024x256xf32>
    %add3A_61 = arith.addf %add3A_53, %dot_general3A_60 : vector<1024x256xf32>
    %get3A_62 = arith.constant 0 : index
    %get3A_63 = arith.constant 0 : index
    %get3A_64 = vector.load %arg5[%get3A_62, %get3A_63] : memref<1x256xf32, #tpu.memory_space<vmem>>, vector<1x256xf32>
    %add3A_65 = vector.broadcast %get3A_64 : vector<1x256xf32> to vector<1024x256xf32>
    %add3A_66 = arith.addf %add3A_61, %add3A_65 : vector<1024x256xf32>
    %get3A_67 = arith.constant 0 : index
    %get3A_68 = arith.constant 0 : index
    %get3A_69 = vector.load %arg6[%get3A_67, %get3A_68] : memref<1x256xf32, #tpu.memory_space<vmem>>, vector<1x256xf32>
    %get3A_70 = arith.constant 0 : index
    %get3A_71 = arith.constant 0 : index
    %get3A_72 = vector.load %arg7[%get3A_70, %get3A_71] : memref<1x256xf32, #tpu.memory_space<vmem>>, vector<1x256xf32>
    %reduce_sum3A = arith.constant dense<0.000000e+00> : vector<1024xf32>
    %reduce_sum3A_73 = vector.multi_reduction <add>, %add3A_66, %reduce_sum3A [1] : vector<1024x256xf32> to vector<1024xf32>
    %broadcast_in_dim3A = vector.shape_cast %reduce_sum3A_73 : vector<1024xf32> to vector<1024x1xf32>
    %div3A = arith.constant 2.560000e+02 : f32
    %div3A_74 = vector.broadcast %div3A : f32 to vector<1024x1xf32>
    %div3A_75 = arith.divf %broadcast_in_dim3A, %div3A_74 : vector<1024x1xf32>
    %sub3A = vector.broadcast %div3A_75 : vector<1024x1xf32> to vector<1024x256xf32>
    %sub3A_76 = arith.subf %add3A_66, %sub3A : vector<1024x256xf32>
    %integer_pow3A = arith.mulf %sub3A_76, %sub3A_76 : vector<1024x256xf32>
    %reduce_sum3A_77 = arith.constant dense<0.000000e+00> : vector<1024xf32>
    %reduce_sum3A_78 = vector.multi_reduction <add>, %integer_pow3A, %reduce_sum3A_77 [1] : vector<1024x256xf32> to vector<1024xf32>
    %broadcast_in_dim3A_79 = vector.shape_cast %reduce_sum3A_78 : vector<1024xf32> to vector<1024x1xf32>
    %div3A_80 = arith.constant 2.560000e+02 : f32
    %div3A_81 = vector.broadcast %div3A_80 : f32 to vector<1024x1xf32>
    %div3A_82 = arith.divf %broadcast_in_dim3A_79, %div3A_81 : vector<1024x1xf32>
    %sub3A_83 = vector.broadcast %div3A_75 : vector<1024x1xf32> to vector<1024x256xf32>
    %sub3A_84 = arith.subf %add3A_66, %sub3A_83 : vector<1024x256xf32>
    %add3A_85 = arith.constant 9.99999974E-6 : f32
    %add3A_86 = vector.broadcast %add3A_85 : f32 to vector<1024x1xf32>
    %add3A_87 = arith.addf %div3A_82, %add3A_86 : vector<1024x1xf32>
    %sqrt3A = math.sqrt %add3A_87 : vector<1024x1xf32>
    %div3A_88 = vector.broadcast %sqrt3A : vector<1024x1xf32> to vector<1024x256xf32>
    %div3A_89 = arith.divf %sub3A_84, %div3A_88 : vector<1024x256xf32>
    %mul3A = vector.broadcast %get3A_69 : vector<1x256xf32> to vector<1024x256xf32>
    %mul3A_90 = arith.mulf %div3A_89, %mul3A : vector<1024x256xf32>
    %add3A_91 = vector.broadcast %get3A_72 : vector<1x256xf32> to vector<1024x256xf32>
    %add3A_92 = arith.addf %mul3A_90, %add3A_91 : vector<1024x256xf32>
    %mul3A_93 = arith.constant 5.000000e-01 : f32
    %mul3A_94 = vector.broadcast %mul3A_93 : f32 to vector<1024x256xf32>
    %mul3A_95 = arith.mulf %add3A_92, %mul3A_94 : vector<1024x256xf32>
    %mul3A_96 = arith.constant 0.707106769 : f32
    %mul3A_97 = vector.broadcast %mul3A_96 : f32 to vector<1024x256xf32>
    %mul3A_98 = arith.mulf %add3A_92, %mul3A_97 : vector<1024x256xf32>
    %erf3A = math.erf %mul3A_98 : vector<1024x256xf32>
    %add3A_99 = arith.constant 1.000000e+00 : f32
    %add3A_100 = vector.broadcast %add3A_99 : f32 to vector<1024x256xf32>
    %add3A_101 = arith.addf %add3A_100, %erf3A : vector<1024x256xf32>
    %mul3A_102 = arith.mulf %mul3A_95, %add3A_101 : vector<1024x256xf32>
    %get3A_103 = arith.constant 0 : index
    %get3A_104 = arith.constant 0 : index
    %get3A_105 = vector.load %arg8[%get3A_103, %get3A_104] : memref<256x128xf32, #tpu.memory_space<vmem>>, vector<256x128xf32>
    %dot_general3A_106 = arith.constant dense<0.000000e+00> : vector<1024x128xf32>
    %dot_general3A_107 = tpu.matmul %mul3A_102, %get3A_105, %dot_general3A_106 {dimension_numbers = #tpu.dot_dimension_numbers<[1], [0], [0], [1], [0, 0, 1, 1], [], []>, transpose_lhs_hint = false} : vector<1024x256xf32>, vector<256x128xf32>, vector<1024x128xf32> -> vector<1024x128xf32>
    %get3A_108 = arith.constant 0 : index
    %get3A_109 = arith.constant 0 : index
    %get3A_110 = vector.load %arg9[%get3A_108, %get3A_109] : memref<1x128xf32, #tpu.memory_space<vmem>>, vector<1x128xf32>
    %add3A_111 = vector.broadcast %get3A_110 : vector<1x128xf32> to vector<1024x128xf32>
    %add3A_112 = arith.addf %dot_general3A_107, %add3A_111 : vector<1024x128xf32>
    %get3A_113 = arith.constant 0 : index
    %get3A_114 = arith.constant 0 : index
    %get3A_115 = vector.load %arg10[%get3A_113, %get3A_114] : memref<1x128xf32, #tpu.memory_space<vmem>>, vector<1x128xf32>
    %get3A_116 = arith.constant 0 : index
    %get3A_117 = arith.constant 0 : index
    %get3A_118 = vector.load %arg11[%get3A_116, %get3A_117] : memref<1x128xf32, #tpu.memory_space<vmem>>, vector<1x128xf32>
    %reduce_sum3A_119 = arith.constant dense<0.000000e+00> : vector<1024xf32>
    %reduce_sum3A_120 = vector.multi_reduction <add>, %add3A_112, %reduce_sum3A_119 [1] : vector<1024x128xf32> to vector<1024xf32>
    %broadcast_in_dim3A_121 = vector.shape_cast %reduce_sum3A_120 : vector<1024xf32> to vector<1024x1xf32>
    %div3A_122 = arith.constant 1.280000e+02 : f32
    %div3A_123 = vector.broadcast %div3A_122 : f32 to vector<1024x1xf32>
    %div3A_124 = arith.divf %broadcast_in_dim3A_121, %div3A_123 : vector<1024x1xf32>
    %sub3A_125 = vector.broadcast %div3A_124 : vector<1024x1xf32> to vector<1024x128xf32>
    %sub3A_126 = arith.subf %add3A_112, %sub3A_125 : vector<1024x128xf32>
    %integer_pow3A_127 = arith.mulf %sub3A_126, %sub3A_126 : vector<1024x128xf32>
    %reduce_sum3A_128 = arith.constant dense<0.000000e+00> : vector<1024xf32>
    %reduce_sum3A_129 = vector.multi_reduction <add>, %integer_pow3A_127, %reduce_sum3A_128 [1] : vector<1024x128xf32> to vector<1024xf32>
    %broadcast_in_dim3A_130 = vector.shape_cast %reduce_sum3A_129 : vector<1024xf32> to vector<1024x1xf32>
    %div3A_131 = arith.constant 1.280000e+02 : f32
    %div3A_132 = vector.broadcast %div3A_131 : f32 to vector<1024x1xf32>
    %div3A_133 = arith.divf %broadcast_in_dim3A_130, %div3A_132 : vector<1024x1xf32>
    %sub3A_134 = vector.broadcast %div3A_124 : vector<1024x1xf32> to vector<1024x128xf32>
    %sub3A_135 = arith.subf %add3A_112, %sub3A_134 : vector<1024x128xf32>
    %add3A_136 = arith.constant 9.99999974E-6 : f32
    %add3A_137 = vector.broadcast %add3A_136 : f32 to vector<1024x1xf32>
    %add3A_138 = arith.addf %div3A_133, %add3A_137 : vector<1024x1xf32>
    %sqrt3A_139 = math.sqrt %add3A_138 : vector<1024x1xf32>
    %div3A_140 = vector.broadcast %sqrt3A_139 : vector<1024x1xf32> to vector<1024x128xf32>
    %div3A_141 = arith.divf %sub3A_135, %div3A_140 : vector<1024x128xf32>
    %mul3A_142 = vector.broadcast %get3A_115 : vector<1x128xf32> to vector<1024x128xf32>
    %mul3A_143 = arith.mulf %div3A_141, %mul3A_142 : vector<1024x128xf32>
    %add3A_144 = vector.broadcast %get3A_118 : vector<1x128xf32> to vector<1024x128xf32>
    %add3A_145 = arith.addf %mul3A_143, %add3A_144 : vector<1024x128xf32>
    %mul3A_146 = arith.constant 5.000000e-01 : f32
    %mul3A_147 = vector.broadcast %mul3A_146 : f32 to vector<1024x128xf32>
    %mul3A_148 = arith.mulf %add3A_145, %mul3A_147 : vector<1024x128xf32>
    %mul3A_149 = arith.constant 0.707106769 : f32
    %mul3A_150 = vector.broadcast %mul3A_149 : f32 to vector<1024x128xf32>
    %mul3A_151 = arith.mulf %add3A_145, %mul3A_150 : vector<1024x128xf32>
    %erf3A_152 = math.erf %mul3A_151 : vector<1024x128xf32>
    %add3A_153 = arith.constant 1.000000e+00 : f32
    %add3A_154 = vector.broadcast %add3A_153 : f32 to vector<1024x128xf32>
    %add3A_155 = arith.addf %add3A_154, %erf3A_152 : vector<1024x128xf32>
    %mul3A_156 = arith.mulf %mul3A_148, %add3A_155 : vector<1024x128xf32>
    %get3A_157 = arith.constant 0 : index
    %get3A_158 = arith.constant 0 : index
    %get3A_159 = vector.load %arg12[%get3A_157, %get3A_158] : memref<128x64xf32, #tpu.memory_space<vmem>>, vector<128x64xf32>
    %dot_general3A_160 = arith.constant dense<0.000000e+00> : vector<1024x64xf32>
    %dot_general3A_161 = tpu.matmul %mul3A_156, %get3A_159, %dot_general3A_160 {dimension_numbers = #tpu.dot_dimension_numbers<[1], [0], [0], [1], [0, 0, 1, 1], [], []>, transpose_lhs_hint = false} : vector<1024x128xf32>, vector<128x64xf32>, vector<1024x64xf32> -> vector<1024x64xf32>
    %get3A_162 = arith.constant 0 : index
    %get3A_163 = arith.constant 0 : index
    %get3A_164 = vector.load %arg13[%get3A_162, %get3A_163] : memref<1x64xf32, #tpu.memory_space<vmem>>, vector<1x64xf32>
    %add3A_165 = vector.broadcast %get3A_164 : vector<1x64xf32> to vector<1024x64xf32>
    %add3A_166 = arith.addf %dot_general3A_161, %add3A_165 : vector<1024x64xf32>
    %get3A_167 = arith.constant 0 : index
    %get3A_168 = arith.constant 0 : index
    %get3A_169 = vector.load %arg14[%get3A_167, %get3A_168] : memref<1x64xf32, #tpu.memory_space<vmem>>, vector<1x64xf32>
    %get3A_170 = arith.constant 0 : index
    %get3A_171 = arith.constant 0 : index
    %get3A_172 = vector.load %arg15[%get3A_170, %get3A_171] : memref<1x64xf32, #tpu.memory_space<vmem>>, vector<1x64xf32>
    %reduce_sum3A_173 = arith.constant dense<0.000000e+00> : vector<1024xf32>
    %reduce_sum3A_174 = vector.multi_reduction <add>, %add3A_166, %reduce_sum3A_173 [1] : vector<1024x64xf32> to vector<1024xf32>
    %broadcast_in_dim3A_175 = vector.shape_cast %reduce_sum3A_174 : vector<1024xf32> to vector<1024x1xf32>
    %div3A_176 = arith.constant 6.400000e+01 : f32
    %div3A_177 = vector.broadcast %div3A_176 : f32 to vector<1024x1xf32>
    %div3A_178 = arith.divf %broadcast_in_dim3A_175, %div3A_177 : vector<1024x1xf32>
    %sub3A_179 = vector.broadcast %div3A_178 : vector<1024x1xf32> to vector<1024x64xf32>
    %sub3A_180 = arith.subf %add3A_166, %sub3A_179 : vector<1024x64xf32>
    %integer_pow3A_181 = arith.mulf %sub3A_180, %sub3A_180 : vector<1024x64xf32>
    %reduce_sum3A_182 = arith.constant dense<0.000000e+00> : vector<1024xf32>
    %reduce_sum3A_183 = vector.multi_reduction <add>, %integer_pow3A_181, %reduce_sum3A_182 [1] : vector<1024x64xf32> to vector<1024xf32>
    %broadcast_in_dim3A_184 = vector.shape_cast %reduce_sum3A_183 : vector<1024xf32> to vector<1024x1xf32>
    %div3A_185 = arith.constant 6.400000e+01 : f32
    %div3A_186 = vector.broadcast %div3A_185 : f32 to vector<1024x1xf32>
    %div3A_187 = arith.divf %broadcast_in_dim3A_184, %div3A_186 : vector<1024x1xf32>
    %sub3A_188 = vector.broadcast %div3A_178 : vector<1024x1xf32> to vector<1024x64xf32>
    %sub3A_189 = arith.subf %add3A_166, %sub3A_188 : vector<1024x64xf32>
    %add3A_190 = arith.constant 9.99999974E-6 : f32
    %add3A_191 = vector.broadcast %add3A_190 : f32 to vector<1024x1xf32>
    %add3A_192 = arith.addf %div3A_187, %add3A_191 : vector<1024x1xf32>
    %sqrt3A_193 = math.sqrt %add3A_192 : vector<1024x1xf32>
    %div3A_194 = vector.broadcast %sqrt3A_193 : vector<1024x1xf32> to vector<1024x64xf32>
    %div3A_195 = arith.divf %sub3A_189, %div3A_194 : vector<1024x64xf32>
    %mul3A_196 = vector.broadcast %get3A_169 : vector<1x64xf32> to vector<1024x64xf32>
    %mul3A_197 = arith.mulf %div3A_195, %mul3A_196 : vector<1024x64xf32>
    %add3A_198 = vector.broadcast %get3A_172 : vector<1x64xf32> to vector<1024x64xf32>
    %add3A_199 = arith.addf %mul3A_197, %add3A_198 : vector<1024x64xf32>
    %mul3A_200 = arith.constant 5.000000e-01 : f32
    %mul3A_201 = vector.broadcast %mul3A_200 : f32 to vector<1024x64xf32>
    %mul3A_202 = arith.mulf %add3A_199, %mul3A_201 : vector<1024x64xf32>
    %mul3A_203 = arith.constant 0.707106769 : f32
    %mul3A_204 = vector.broadcast %mul3A_203 : f32 to vector<1024x64xf32>
    %mul3A_205 = arith.mulf %add3A_199, %mul3A_204 : vector<1024x64xf32>
    %erf3A_206 = math.erf %mul3A_205 : vector<1024x64xf32>
    %add3A_207 = arith.constant 1.000000e+00 : f32
    %add3A_208 = vector.broadcast %add3A_207 : f32 to vector<1024x64xf32>
    %add3A_209 = arith.addf %add3A_208, %erf3A_206 : vector<1024x64xf32>
    %mul3A_210 = arith.mulf %mul3A_202, %add3A_209 : vector<1024x64xf32>
    %get3A_211 = arith.constant 0 : index
    %get3A_212 = arith.constant 0 : index
    %get3A_213 = vector.load %arg16[%get3A_211, %get3A_212] : memref<64x1xf32, #tpu.memory_space<vmem>>, vector<64x1xf32>
    %dot_general3A_214 = arith.constant dense<0.000000e+00> : vector<1024x1xf32>
    %dot_general3A_215 = tpu.matmul %mul3A_210, %get3A_213, %dot_general3A_214 {dimension_numbers = #tpu.dot_dimension_numbers<[1], [0], [0], [1], [0, 0, 1, 1], [], []>, transpose_lhs_hint = false} : vector<1024x64xf32>, vector<64x1xf32>, vector<1024x1xf32> -> vector<1024x1xf32>
    %get3A_216 = arith.constant 0 : index
    %get3A_217 = arith.constant 0 : index
    %get3A_218 = vector.load %arg17[%get3A_216, %get3A_217] : memref<1x1xf32, #tpu.memory_space<vmem>>, vector<1x1xf32>
    %add3A_219 = vector.broadcast %get3A_218 : vector<1x1xf32> to vector<1024x1xf32>
    %add3A_220 = arith.addf %dot_general3A_215, %add3A_219 : vector<1024x1xf32>
    %logistic3A = arith.negf %add3A_220 : vector<1024x1xf32>
    %logistic3A_221 = math.exp %logistic3A : vector<1024x1xf32>
    %logistic3A_222 = arith.constant 1.000000e+00 : f32
    %logistic3A_223 = vector.broadcast %logistic3A_222 : f32 to vector<1024x1xf32>
    %logistic3A_224 = arith.addf %logistic3A_223, %logistic3A_221 : vector<1024x1xf32>
    %logistic3A_225 = arith.divf %logistic3A_223, %logistic3A_224 : vector<1024x1xf32>
    %swap3A = arith.constant 0 : index
    %swap3A_226 = arith.constant 0 : index
    %swap3A_227 = vector.load %arg18[%swap3A, %swap3A_226] : memref<1024x1xf32, #tpu.memory_space<vmem>>, vector<1024x1xf32>
    tpu.vector_store %arg18[%swap3A, %swap3A_226], %logistic3A_225 {strides = array<i32>} : memref<1024x1xf32, #tpu.memory_space<vmem>>, vector<1024x1xf32>,
    return
  }
  func.func @transform_0(%arg0: i32) -> (i32, i32) {
    %c0_i32 = arith.constant 0 : i32
    %c0_i32_0 = arith.constant 0 : i32
    return %arg0, %c0_i32 : i32, i32
  }
  func.func @transform_1(%arg0: i32) -> (i32, i32) {
    %c0_i32 = arith.constant 0 : i32
    %c0_i32_0 = arith.constant 0 : i32
    return %arg0, %c0_i32 : i32, i32
  }
  func.func @transform_2(%arg0: i32) -> (i32, i32) {
    %c0_i32 = arith.constant 0 : i32
    %c0_i32_0 = arith.constant 0 : i32
    %c0_i32_1 = arith.constant 0 : i32
    return %c0_i32, %c0_i32_0 : i32, i32
  }
  func.func @transform_3(%arg0: i32) -> (i32, i32) {
    %c0_i32 = arith.constant 0 : i32
    %c0_i32_0 = arith.constant 0 : i32
    %c0_i32_1 = arith.constant 0 : i32
    return %c0_i32, %c0_i32_0 : i32, i32
  }
  func.func @transform_4(%arg0: i32) -> (i32, i32) {
    %c0_i32 = arith.constant 0 : i32
    %c0_i32_0 = arith.constant 0 : i32
    %c0_i32_1 = arith.constant 0 : i32
    return %c0_i32, %c0_i32_0 : i32, i32
  }
  func.func @transform_5(%arg0: i32) -> (i32, i32) {
    %c0_i32 = arith.constant 0 : i32
    %c0_i32_0 = arith.constant 0 : i32
    %c0_i32_1 = arith.constant 0 : i32
    return %c0_i32, %c0_i32_0 : i32, i32
  }
  func.func @transform_6(%arg0: i32) -> (i32, i32) {
    %c0_i32 = arith.constant 0 : i32
    %c0_i32_0 = arith.constant 0 : i32
    %c0_i32_1 = arith.constant 0 : i32
    return %c0_i32, %c0_i32_0 : i32, i32
  }
  func.func @transform_7(%arg0: i32) -> (i32, i32) {
    %c0_i32 = arith.constant 0 : i32
    %c0_i32_0 = arith.constant 0 : i32
    %c0_i32_1 = arith.constant 0 : i32
    return %c0_i32, %c0_i32_0 : i32, i32
  }
  func.func @transform_8(%arg0: i32) -> (i32, i32) {
    %c0_i32 = arith.constant 0 : i32
    %c0_i32_0 = arith.constant 0 : i32
    %c0_i32_1 = arith.constant 0 : i32
    return %c0_i32, %c0_i32_0 : i32, i32
  }
  func.func @transform_9(%arg0: i32) -> (i32, i32) {
    %c0_i32 = arith.constant 0 : i32
    %c0_i32_0 = arith.constant 0 : i32
    %c0_i32_1 = arith.constant 0 : i32
    return %c0_i32, %c0_i32_0 : i32, i32
  }
  func.func @transform_10(%arg0: i32) -> (i32, i32) {
    %c0_i32 = arith.constant 0 : i32
    %c0_i32_0 = arith.constant 0 : i32
    %c0_i32_1 = arith.constant 0 : i32
    return %c0_i32, %c0_i32_0 : i32, i32
  }
  func.func @transform_11(%arg0: i32) -> (i32, i32) {
    %c0_i32 = arith.constant 0 : i32
    %c0_i32_0 = arith.constant 0 : i32
    %c0_i32_1 = arith.constant 0 : i32
    return %c0_i32, %c0_i32_0 : i32, i32
  }
  func.func @transform_12(%arg0: i32) -> (i32, i32) {
    %c0_i32 = arith.constant 0 : i32
    %c0_i32_0 = arith.constant 0 : i32
    %c0_i32_1 = arith.constant 0 : i32
    return %c0_i32, %c0_i32_0 : i32, i32
  }
  func.func @transform_13(%arg0: i32) -> (i32, i32) {
    %c0_i32 = arith.constant 0 : i32
    %c0_i32_0 = arith.constant 0 : i32
    %c0_i32_1 = arith.constant 0 : i32
    return %c0_i32, %c0_i32_0 : i32, i32
  }
  func.func @transform_14(%arg0: i32) -> (i32, i32) {
    %c0_i32 = arith.constant 0 : i32
    %c0_i32_0 = arith.constant 0 : i32
    %c0_i32_1 = arith.constant 0 : i32
    return %c0_i32, %c0_i32_0 : i32, i32
  }
  func.func @transform_15(%arg0: i32) -> (i32, i32) {
    %c0_i32 = arith.constant 0 : i32
    %c0_i32_0 = arith.constant 0 : i32
    %c0_i32_1 = arith.constant 0 : i32
    return %c0_i32, %c0_i32_0 : i32, i32
  }
  func.func @transform_16(%arg0: i32) -> (i32, i32) {
    %c0_i32 = arith.constant 0 : i32
    %c0_i32_0 = arith.constant 0 : i32
    %c0_i32_1 = arith.constant 0 : i32
    return %c0_i32, %c0_i32_0 : i32, i32
  }
  func.func @transform_17(%arg0: i32) -> (i32, i32) {
    %c0_i32 = arith.constant 0 : i32
    %c0_i32_0 = arith.constant 0 : i32
    return %arg0, %c0_i32 : i32, i32
  }
}

</mosaic_0001>

<sc_bundles>
// kernel: kernel.5.cloned.1.call-start
scs
__scs_entry_jumppad:
0x0: {  	(pc) =	sbr.rel $0x88, $3  }
0x1: {  	(tag) =	ssettag $0x0;
	lr =	simm.s32 $0x1  }
0x2: {  	[smem:$0x3F90] =	sst lr;
	_ =	strace $0xD0000000  }
0x3: {  	_ = 	snop  }
0x4: {  	_ = 	snop  }
0x5: {  	_ = 	snop  }
0x6: {  	_ = 	snop  }
0x7: {  	_ = 	snop  }
__scs_overlays_trampoline_lowered:
0x8: {  	[smem:$0x3F9F] =	sst s0  }
0x9: {  	[smem:$0x3FA0] =	sst s1  }
0xa: {  	[smem:$0x3FA1] =	sst s2  }
0xb: {  	[smem:$0x3FA2] =	sst s3  }
0xc: {  	[smem:$0x3FA3] =	sst s4  }
0xd: {  	[smem:$0x3FA4] =	sst s5  }
0xe: {  	[smem:$0x3FA5] =	sst s6  }
0xf: {  	[smem:$0x3FA6] =	sst s7  }
0x10: {  	[smem:$0x3FA7] =	sst s8  }
0x11: {  	[smem:$0x3FA8] =	sst s9;
	s0 =	simm.s32 @!p0 $0x0  }
0x12: {  	s1 =	sld [smem:$0x3F8E];
	s0 =	simm.s32 @p0 $0x1  }
0x13: {  	[smem:$0x3FA9] =	sst s0;
	s0 =	simm.s32 @!p1 $0x0  }
0x14: {  	s2 =	sld [smem:$0x3F8D];
	s0 =	simm.s32 @p1 $0x1  }
0x15: {  	[smem:$0x3FAA] =	sst s0;
	s0 =	simm.s32 @!p2 $0x0  }
0x16: {  	s3 =	sld [smem:$0x3FDB];
	s0 =	simm.s32 @p2 $0x1  }
0x17: {  	s4 =	simm.s32 $0x1BF5;
	[smem:$0x3FAC] =	sst s0  }
0x18: {  	s0 =	sld [smem:$0x3F8F];
	_ =	swait.ge [sflag:s4], $0x0  }
0x19: {  	s7 =	sld [smem:$0x3F90]  }
0x1a: {  	s8 =	sadd.s32 $0xFFFFE003, lr  }
0x1b: {  	s9 =	sadd.s32 $0xFFFFFEF7, lr;
	s5 =	simm.s32 $0xFFFFFFFF;
	p2 =	slt.u32 s8, $0xFFFFF086  }
0x1c: {  	p1 =	slt.u32 s9, $0xF7A;
	s5 =	simm.s32 @!p2 $0x0  }
0x1d: {  	s5 =	simm.s32 @p1 $0x1;
	p0 =	seq.s32 s7, s2  }
0x1e: {  	s7 =	smul.u32 @!p0 $0xF7A, s2;
	p2 =	seq.s32 @!p0 s5, $0x0  }
0x1f: {  	s9 =	smul.u32 $0xF7A, s1;
	s8 =	simm.s32 @!p0 $0x1BF5;
	p2 =	por !p2, p0  }
0x20: {  	[sflag:s8] =	ssyncset.s32 @!p0 $0xFFFFF086;
	s6 =	sadd.s32 @!p0 s3, s7;
	s7 =	simm.s32 @!p0 $0x108  }
0x21: {  	s3 =	sadd.s32 s3, s9;
	s6 =	sadd.s32 @!p0 $0x88, s6;
	s7 =	simm.s32 @p2 $0x1082  }
0x22: {  	[simem:s7], [sflag:s8] =	dma.local @!p0 [hbm:s6], $0xF7A  }
0x23: {  	s9 =	sor.u32 $0xD0000000, s2;
	s6 =	simm.s32 $0x108;
	_ =	swait.ge @!p0 [sflag:s8], $0x0  }
0x24: {  	s3 =	sadd.s32 $0x88, s3;
	s6 =	simm.s32 @!p1 $0x1082;
	[sflag:s4] =	ssyncset.s32 $0xFFFFF086  }
0x25: {  	[simem:s6], [sflag:s4] =	dma.local [hbm:s3], $0xF7A  }
0x26: {  	[smem:$0x3F90] =	sst s1;
	(tag) =	ssettag s2;
	_ =	strace s9  }
0x27: {  	s1 =	sld [smem:$0x3FA0]  }
0x28: {  	s2 =	sld [smem:$0x3FA1]  }
0x29: {  	s4 =	sld [smem:$0x3FA3]  }
0x2a: {  	p0 =	seq.s32 s5, $0x0;
	s5 =	sld [smem:$0x3FA4]  }
0x2b: {  	s6 =	sld [smem:$0x3FA5]  }
0x2c: {  	s7 =	sld [smem:$0x3FA6]  }
0x2d: {  	s3 =	simm.s32 $0x108;
	s8 =	sld [smem:$0x3FA7]  }
0x2e: {  	s3 =	simm.s32 @!p0 $0x1082;
	s9 =	sld [smem:$0x3FA8]  }
0x2f: {  	lr =	sadd.s32 s0, s3;
	s0 =	sld [smem:$0x3F9F]  }
0x30: {  	s3 =	sld [smem:$0x3FA2]  }
0x31: {  	[smem:$0x3FAB] =	sst s10  }
0x32: {  	s10 =	sld [smem:$0x3FA9];
	_ =	sdelay $0x3  }
0x33: {  	p0 =	seq.s32 s10, $0x1;
	s10 =	sld [smem:$0x3FAB];
	_ =	sdelay $0x3  }
0x34: {  	[smem:$0x3FAB] =	sst s10  }
0x35: {  	s10 =	sld [smem:$0x3FAA];
	_ =	sdelay $0x3  }
0x36: {  	p1 =	seq.s32 s10, $0x1;
	s10 =	sld [smem:$0x3FAB];
	_ =	sdelay $0x3  }
0x37: {  	[smem:$0x3FAB] =	sst s10  }
0x38: {  	s10 =	sld [smem:$0x3FAC]  }
0x39: {  	_ = 	snop;
	(pc) =	sbr.ind lr, $3  }
0x3a: {  	_ = 	snop  }
0x3b: {  	_ = 	snop  }
0x3c: {  	p2 =	seq.s32 s10, $0x1;
	s10 =	sld [smem:$0x3FAB]  }
0x3d: {  	_ =	shalt  }
0x3e: {  	_ =	shalt  }
0x3f: {  	_ =	shalt  }
0x40: {  	_ =	shalt  }
0x41: {  	_ =	shalt  }
0x42: {  	_ =	shalt  }
0x43: {  	_ =	shalt  }
0x44: {  	_ =	shalt  }
0x45: {  	_ =	shalt  }
0x46: {  	_ =	shalt  }
0x47: {  	_ =	shalt  }
0x48: {  	_ =	shalt  }
0x49: {  	_ =	shalt  }
0x4a: {  	_ =	shalt  }
0x4b: {  	_ =	shalt  }
0x4c: {  	_ =	shalt  }
0x4d: {  	_ =	shalt  }
0x4e: {  	_ =	shalt  }
0x4f: {  	_ =	shalt  }
0x50: {  	_ =	shalt  }
0x51: {  	_ =	shalt  }
0x52: {  	_ =	shalt  }
0x53: {  	_ =	shalt  }
0x54: {  	_ =	shalt  }
0x55: {  	_ =	shalt  }
0x56: {  	_ =	shalt  }
0x57: {  	_ =	shalt  }
0x58: {  	_ =	shalt  }
0x59: {  	_ =	shalt  }
0x5a: {  	_ =	shalt  }
0x5b: {  	_ =	shalt  }
0x5c: {  	_ =	shalt  }
0x5d: {  	_ =	shalt  }
0x5e: {  	_ =	shalt  }
0x5f: {  	_ =	shalt  }
0x60: {  	_ =	shalt  }
0x61: {  	_ =	shalt  }
0x62: {  	_ =	shalt  }
0x63: {  	_ =	shalt  }
0x64: {  	_ =	shalt  }
0x65: {  	_ =	shalt  }
0x66: {  	_ =	shalt  }
0x67: {  	_ =	shalt  }
0x68: {  	_ =	shalt  }
0x69: {  	_ =	shalt  }
0x6a: {  	_ =	shalt  }
0x6b: {  	_ =	shalt  }
0x6c: {  	_ =	shalt  }
0x6d: {  	_ =	shalt  }
0x6e: {  	_ =	shalt  }
0x6f: {  	_ =	shalt  }
0x70: {  	_ =	shalt  }
0x71: {  	_ =	shalt  }
0x72: {  	_ =	shalt  }
0x73: {  	_ =	shalt  }
0x74: {  	_ =	shalt  }
0x75: {  	_ =	shalt  }
0x76: {  	_ =	shalt  }
0x77: {  	_ =	shalt  }
0x78: {  	_ =	shalt  }
0x79: {  	_ =	shalt  }
0x7a: {  	_ =	shalt  }
0x7b: {  	_ =	shalt  }
0x7c: {  	_ =	shalt  }
0x7d: {  	_ =	shalt  }
0x7e: {  	_ =	shalt  }
0x7f: {  	_ =	shalt  }
0x80: {  	_ =	shalt  }
0x81: {  	_ =	shalt  }
0x82: {  	_ =	shalt  }
0x83: {  	_ =	shalt  }
0x84: {  	_ =	shalt  }
0x85: {  	_ =	shalt  }
0x86: {  	_ =	shalt  }
0x87: {  	_ =	shalt  }
.Lfunc_end0:
.L_simem_size_0:
called_computation_lowered:
.L_overlay_start_0:
0x88: {  	s2 =	sld [smem:$0x3FD9]  }
0x89: {  	s3 =	sld [smem:$0x3FFE];
	_ =	sdelay $0x1  }
0x8a: {  	s1 =	srdreg.scid  }
0x8b: {  	s0 =	sand.u32 $0x1, s1  }
0x8c: {  	s16 =	sshll.u32 s0, $0xA;
	s2 =	sadd.s32 s3, s2  }
0x8d: {  	s2 =	sadd.s32 s2, s16  }
0x8e: {  	[smem:$0x3FB7] =	sst s2  }
0x8f: {  	_ = 	snop  }
0x90: {  	(tm) =	ssettm $0x1  }
0x91: {  	s17 =	sld [smem:$0x3FFB];
	_ =	sdelay $0x3  }
0x92: {  	_ =	strace s17  }
0x93: {  	s2 =	sld [smem:$0x3FFC];
	_ =	sdelay $0x3  }
0x94: {  	_ =	strace s2  }
0x95: {  	s2 =	sld [smem:$0x3FFD];
	_ =	sdelay $0x3  }
0x96: {  	_ =	strace s2  }
0x97: {  	_ =	strace $0x8FFFFFFF  }
0x98: {  	s18 =	sld [smem:$0x3FDB];
	_ =	sdelay $0x1  }
0x99: {  	s19 =	simm.s32 $_scs_section_size  }
0x9a: {  	s4 =	simm.s32 $_size__tile_overlayer_lowered;
	s5 =	simm.s32 $_tile_overlayer_lowered  }
0x9b: {  	s22 =	simm.s32 $0x1BFF;
	s21 =	sshll.u32 s5, $0x1;
	s2 =	sadd.s32 s19, s18  }
0x9c: {  	s6 =	simm.s32 $0x0;
	s20 =	sshll.u32 s4, $0x1;
	s4 =	sadd.s32 s21, s2  }
0x9d: {  	[timem:s6], [sflag:s22] =	dma.local [hbm:s4], s20  }
0x9e: {  	_ =	swait.ge [sflag:s22], s20  }
0x9f: {  	s3 =	ssub.s32 $0x0, s20;
	[sflag:s22] =	ssyncset.done $0x0  }
0xa0: {  	[sflag:s22] =	ssyncadd.s32 s3;
	_ =	sdelay $0x1  }
0xa1: {  	s23 =	simm.s32 $0x1B8B  }
0xa2: {  	_ =	swait.ge [sflag:s23], $0x1  }
0xa3: {  	[sflag:s23] =	ssyncset.done $0x0  }
0xa4: {  	s25 =	simm.s32 $0x1B8E;
	s24 =	sld [smem:$0x3FFE];
	[sflag:s23] =	ssyncadd.s32 $0xFFFFFFFF  }
0xa5: {  	s26 =	simm.s32 $execute0_lowered;
	[smem:$0x3FD2] =	sst s25  }
0xa6: {  	s4 =	sshll.u32 s26, $0x1;
	_ =	strace $0x80000046;
	[dreg:$0x1] =	wrdreg $0xFFFFFFFF  }
0xa7: {  	s28 =	simm.s32 $_size_execute0_lowered;
	s2 =	sadd.s32 s2, s4;
	[dreg:$0x0] =	wrdreg $0x0  }
0xa8: {  	s4 =	sshll.u32 s28, $0x1;
	[dreg:$0x2] =	wrdreg s2  }
0xa9: {  	[dreg:$0x3] =	wrdreg s4  }
0xaa: {  	[dreg:$0x4] =	wrdreg $0xC0  }
0xab: {  	_ =	task [dreg:s6], $0x5FFFF  }
0xac: {  	[dreg:$0x1] =	wrdreg $0xFFFFFFFF  }
0xad: {  	[dreg:$0x0] =	wrdreg $0x60  }
0xae: {  	[dreg:$0x2] =	wrdreg s24  }
0xaf: {  	[dreg:$0x3] =	wrdreg $0x9  }
0xb0: {  	_ =	task.clear_ibuf [dreg:s6], $0x4FFFF;
	_ =	strace $0x90000046  }
0xb1: {  	s29 =	simm.s32 $0x9;
	_ =	strace $0x8000004F  }
0xb2: {  	_ =	swait.ge [sflag:s29], $0x1  }
0xb3: {  	[sflag:s29] =	ssyncadd.s32 $0xFFFFFFFF  }
0xb4: {  	_ =	strace $0x9000004F  }
0xb5: {  	_ =	sfence  }
0xb6: {  	s30 =	sld [smem:$0x0];
	_ =	sdelay $0x2  }
0xb7: {  	s31 =	sshll.u32 s1, $0xD;
	s1 =	sshrl.u32 s1, $0x2  }
0xb8: {  	s3 =	sand.u32 $0x4000, s31;
	s1 =	sadd.s32 s1, s30  }
0xb9: {  	s0 =	sor.u32 s3, s0;
	s1 =	sshll.u32 s1, $0x11  }
0xba: {  	s0 =	sor.u32 s1, s0  }
0xbb: {  	s0 =	sadd.s32 $0x8F2B, s0  }
0xbc: {  	[sflag:s0] =	ssyncadd.remote.s32 $0x1  }
0xbd: {  	_ =	sfence.sel $0xFFFF  }
0xbe: {  	[dreg:$0x0] =	wrdreg $0xFFFFFFFF;
	(pc) =	sbr.abs _section_cstart, $3  }
0xbf: {  	[dreg:$0x1] =	wrdreg $0xFFFFFFFF  }
0xc0: {  	_ =	task.clear_ibuf [dreg:s6], $0x2FFFF;
	_ =	strace $0x9FFFFFFF  }
0xc1: {  	(tm) =	ssettm $0x7FFFFFFF  }
tec
execute0_lowered:
.L_overlay_start_1:
0x0: {  	(tag) =	ssettag $0x1  }
0x1: {  	s3 =	rddreg [dreg:$0x0]  }
0x2: {  	s0 =	rddreg [dreg:$0x1];
	s1 =	simm.s32 $0x0  }
0x3: {  	s2 =	srdreg.scid;
	s8 =	simm.s32 $0x80;
	s9 =	simm.s32 $0x0  }
0x4: {  	[smem:$0x7FF] =	sst s1;
	s4 =	sand.u32 $0x1, s2;
	s5 =	sadd.s32 $0x10400, s3  }
0x5: {  	s2 =	stileid.u32;
	s30 =	sadd.s32 $0x9FB600, s3;
	s3 =	sadd.s32 $0x2400, s3  }
0x6: {  	_ =	strace $0x80000047;
	s6 =	sshll.u32 s4, $0x4;
	[dreg:$0x2] =	wrdreg s5  }
0x7: {  	s4 =	ssub.s32 $0x2, s4;
	[dreg:$0x4] =	wrdreg s30;
	s29 =	sor.u32 s2, s6  }
0x8: {  	[dreg:$0x3] =	wrdreg s8;
	s31 =	sshrl.u32 s4, $0x1;
	s7 =	smul.u32 $0x700, s29  }
0x9: {  	s8 =	simm.s32 $0x5;
	s6 =	ssub.s32 s4, s31;
	s4 =	smul.u32 $0x70, s29  }
0xa: {  	s6 =	smax.u32 s6, $0x1;
	s5 =	sadd.s32 s3, s7;
	s7 =	simm.s32 $0x1  }
.LBB2_1:
0xb: {  	_ =	strace $0x80000048;
	s10 =	simm.s32 $0x1;
	p0 =	por $0x0, $0x0  }
0xc: {  	[tilespmem:s1], [sflag:$0x1] =	stream.linear.gather [hbm4b:s5+s1], $0x80, $0x200038;
	[tilespmem:$0x2100] =	vst v63  }
0xd: {  	s10 =	simm.s32 @p0 $0x0  }
0xe: {  	p4 =	por $0x1, $0x1;
	s19 =	sand.u32 $0x1, s1;
	p1 =	sne.s32 s10, $0x0  }
0xf: {  	p2 =	por $0x1, $0x1;
	s17 =	simm.s32 $0x6E;
	p0 =	por !p4, !p1  }
0x10: {  	s15 =	simm.s32 $0x0;
	p5 =	por $0x0, $0x0;
	p0 =	por !p0, !p0  }
0x11: {  	s22 =	sadd.s32 $0x0, s4;
	s30 =	sadd.s32 $0x1, s19;
	s11 =	sadd.s32 @p0 s4, s10  }
0x12: {  	_ =	strace $0x90000048;
	s12 =	sand.u32 @p0 $0x1, s7;
	s11 =	sshll.u32 @p0 s11, $0x4  }
0x13: {  	_ =	strace @p0 $0x80000049;
	s14 =	simm.s32 @p0 $0x0;
	s11 =	sand.u32 @p0 $0x1FFFFFF0, s11  }
0x14: {  	s13 =	sshll.u32 @p0 s12, $0x7;
	s12 =	sadd.s32 @p0 $0x1, s12;
	s11 =	sadd.s32 @p0 s3, s11  }
0x15: {  	[tilespmem:s13], [sflag:s12] =	stream.linear.gather @p0 [hbm4b:s11+s14], $0x80, $0x200038;
	[tilespmem:$0x2100] =	vst v63  }
0x16: {  	p3 =	por p2, p2;
	s20 =	sshll.u32 s19, $0xC;
	_ =	strace @p0 $0x90000049  }
0x17: {  	s15 =	sand.u32 $0x80, s15;
	p2 =	por p5, p5;
	_ =	strace $0x8000004A  }
0x18: {  	s16 =	sadd.s32 $0x1, s10;
	s21 =	sor.u32 $0x100, s20;
	_ =	swait.ge [sflag:s30], $0x80  }
0x19: {  	s20 =	simm.s32 $0x1;
	p6 =	por p1, p1;
	[sflag:s30] =	ssyncset.done $0x0  }
0x1a: {  	p1 =	por p3, p3;
	p4 =	por $0x1, $0x1;
	[sflag:s30] =	ssyncadd.s32 $0xFFFFFF80  }
0x1b: {  	s11 =	simm.s32 $0x6F;
	s14 =	sand.u32 @!p3 $0x1, s1;
	_ =	strace $0x9000004A  }
0x1c: {  	s12 =	simm.s32 $0x1;
	p3 =	seq.s32 s16, $0x70;
	_ =	strace $0x8000004B  }
0x1d: {  	s12 =	simm.s32 @!p0 $0x0;
	s16 =	simm.s32 @p3 $0x0;
	s18 =	rddreg [dreg:$0x3]  }
0x1e: {  	p0 =	por $0x0, $0x0;
	s13 =	sadd.s32 $0x1, s12;
	s31 =	rddreg [dreg:$0x2]  }
0x1f: {  	[tilespmem:s21], [sflag:$0x5] =	stream.indirect.gather [hbm4b:s31+s18], $0x20, s15, s18, $0x2000b8;
	[tilespmem:$0x2100] =	vst v63  }
0x20: {  	p3 =	sne.s32 s10, s16;
	s20 =	simm.s32 @!p0 $0x0;
	_ =	swait.ge [sflag:s8], $0x1000  }
0x21: {  	p5 =	por !p4, !p3;
	p4 =	por $0x0, $0x0;
	[sflag:s8] =	ssyncset.done $0x0  }
0x22: {  	s12 =	simm.s32 $0x0;
	p6 =	por p4, p6;
	[sflag:s8] =	ssyncadd.s32 $0xFFFFF000  }
0x23: {  	s15 =	simm.s32 $0x0;
	s18 =	simm.s32 $0x0;
	_ =	strace $0x9000004B  }
.LBB2_2:
0x24: {  	_ =	strace @p6 $0x8000004C;
	s30 =	smov.u32 s11  }
0x25: {  	s11 =	smov.u32 s17;
	s17 =	sadd.s32 $0xFFFFFFFF, s17;
	p0 =	por p3, p3  }
0x26: {  	s26 =	sshll.u32 @p6 s22, $0x9;
	s19 =	sadd.s32 @p6 $0x3, s19;
	s23 =	simm.s32 @!p0 $0x0  }
0x27: {  	s24 =	rddreg [dreg:$0x4];
	s26 =	sand.u32 @p6 $0x1FFFFE00, s26;
	s23 =	simm.s32 @p0 $0x1  }
0x28: {  	s24 =	sadd.s32 @p6 s24, s26;
	s26 =	simm.s32 @p6 $0x0;
	p0 =	sne.s32 s17, $0x0  }
0x29: {  	[hbm4b:s24+s26] =	stream.linear.scatter @p6 [tilespmem:s21], [sflag:s19], $0x1000, $0x200038;
	[tilespmem:$0x2100] =	vst v63  }
0x2a: {  	s12 =	sadd.s32 s20, s12;
	s19 =	sadd.s32 @!p1 $0x3, s14;
	s14 =	simm.s32 @!p0 $0x0  }
0x2b: {  	s25 =	simm.s32 $0x1;
	[smem:$0x7FC] =	sst s23;
	s14 =	simm.s32 @p0 $0x1  }
0x2c: {  	s25 =	simm.s32 @!p6 $0x0;
	_ =	strace @p6 $0x9000004C;
	[smem:$0x7FD] =	sst s14  }
0x2d: {  	p5 =	por !p5, !p5;
	s18 =	sadd.s32 s25, s18;
	_ =	strace @!p1 $0x8000004D  }
0x2e: {  	s23 =	sand.u32 @!p2 $0x1, s12;
	s21 =	sand.u32 @p5 $0x1, s13;
	_ =	swait.ge @!p1 [sflag:s19], $0x1000  }
0x2f: {  	s14 =	smov.u32 s23;
	s23 =	sadd.s32 @p5 s4, s16;
	[sflag:s19] =	ssyncset.done @!p1 $0x0  }
0x30: {  	s24 =	sshll.u32 @p5 s21, $0x7;
	s23 =	sshll.u32 @p5 s23, $0x4;
	[sflag:s19] =	ssyncadd.s32 @!p1 $0xFFFFF000  }
0x31: {  	s19 =	sadd.s32 @p5 $0x1, s21;
	s21 =	sand.u32 @p5 $0x1FFFFFF0, s23;
	_ =	strace @!p1 $0x9000004D  }
0x32: {  	s23 =	simm.s32 @p5 $0x0;
	s21 =	sadd.s32 @p5 s3, s21;
	_ =	strace @p5 $0x80000049  }
0x33: {  	[tilespmem:s24], [sflag:s19] =	stream.linear.gather @p5 [hbm4b:s21+s23], $0x80, $0x200038;
	[tilespmem:$0x2100] =	vst v63  }
0x34: {  	s15 =	sadd.s32 s25, s15;
	s25 =	sand.u32 $0x1, s18;
	_ =	strace @p5 $0x90000049  }
0x35: {  	s23 =	sadd.s32 $0x1, s25;
	_ =	strace $0x8000004A  }
0x36: {  	_ =	swait.ge [sflag:s23], $0x80  }
0x37: {  	[sflag:s23] =	ssyncset.done $0x0  }
0x38: {  	s19 =	simm.s32 $0x1;
	[sflag:s23] =	ssyncadd.s32 $0xFFFFFF80  }
0x39: {  	s19 =	simm.s32 @!p5 $0x0;
	_ =	strace $0x9000004A  }
0x3a: {  	s13 =	sadd.s32 s19, s13;
	s19 =	sand.u32 $0x1, s15;
	_ =	strace $0x8000004B  }
0x3b: {  	s31 =	sshll.u32 s18, $0x7;
	s24 =	sshll.u32 s19, $0xC;
	s25 =	rddreg [dreg:$0x3]  }
0x3c: {  	s29 =	sand.u32 $0x80, s31;
	s21 =	sor.u32 $0x100, s24;
	s26 =	rddreg [dreg:$0x2]  }
0x3d: {  	[tilespmem:s21], [sflag:$0x5] =	stream.indirect.gather [hbm4b:s26+s25], $0x20, s29, s25, $0x2000b8;
	[tilespmem:$0x2100] =	vst v63  }
0x3e: {  	_ =	swait.ge [sflag:s8], $0x1000  }
0x3f: {  	[sflag:s8] =	ssyncset.done $0x0  }
0x40: {  	s28 =	sadd.s32 $0x1, s16;
	[sflag:s8] =	ssyncadd.s32 $0xFFFFF000  }
0x41: {  	s22 =	sadd.s32 s4, s10;
	s10 =	smov.u32 s16;
	_ =	strace $0x9000004B  }
0x42: {  	p3 =	seq.s32 s28, $0x70;
	s16 =	smov.u32 s28;
	s31 =	sld [smem:$0x7FD]  }
0x43: {  	s20 =	simm.s32 $0x1;
	s16 =	simm.s32 @p3 $0x0  }
0x44: {  	p6 =	sne.s32 s11, $0x1;
	p0 =	sne.s32 s30, $0x70;
	p3 =	sne.s32 s10, s16  }
0x45: {  	s20 =	simm.s32 @!p0 $0x0;
	p5 =	por !p6, !p3;
	p0 =	seq.s32 s31, $0x1  }
.Ltmp0:
0x46: {  	p6 =	seq.s32 s30, $0x1;
	s30 =	sld [smem:$0x7FC];
	(pc) =	sbr.rel @p0 .LBB2_2-.Ltmp0, $4  }
0x47: {  	_ = 	snop  }
0x48: {  	p4 =	seq.s32 s11, $0x70  }
0x49: {  	p1 =	por p2, p2;
	p2 =	por p4, p4;
	p4 =	seq.s32 s30, $0x1  }
0x4a: {  	p6 =	por p6, p4  }
0x4b: {  	_ =	strace @p6 $0x8000004C;
	s22 =	sshll.u32 @p6 s22, $0x9  }
0x4c: {  	s17 =	rddreg [dreg:$0x4];
	s22 =	sand.u32 @p6 $0x1FFFFE00, s22  }
0x4d: {  	s19 =	sadd.s32 @p6 $0x3, s19;
	s17 =	sadd.s32 @p6 s17, s22;
	s22 =	simm.s32 @p6 $0x0  }
0x4e: {  	[hbm4b:s17+s22] =	stream.linear.scatter @p6 [tilespmem:s21], [sflag:s19], $0x1000, $0x200038;
	[tilespmem:$0x2100] =	vst v63  }
0x4f: {  	p0 =	por !p5, !p5;
	_ =	strace @p6 $0x9000004C  }
0x50: {  	s14 =	sadd.s32 @!p1 $0x3, s14;
	s16 =	sadd.s32 @p0 s4, s16;
	_ =	strace @!p1 $0x8000004D  }
0x51: {  	s13 =	sand.u32 @p0 $0x1, s13;
	s16 =	sshll.u32 @p0 s16, $0x4;
	_ =	swait.ge @!p1 [sflag:s14], $0x1000  }
0x52: {  	s17 =	simm.s32 $0x1;
	s19 =	sshll.u32 @p0 s13, $0x7;
	[sflag:s14] =	ssyncset.done @!p1 $0x0  }
0x53: {  	s13 =	sadd.s32 @p0 $0x1, s13;
	s17 =	simm.s32 @!p6 $0x0;
	[sflag:s14] =	ssyncadd.s32 @!p1 $0xFFFFF000  }
0x54: {  	s18 =	sadd.s32 s17, s18;
	s14 =	sand.u32 @p0 $0x1FFFFFF0, s16;
	_ =	strace @!p1 $0x9000004D  }
0x55: {  	s16 =	simm.s32 @p0 $0x0;
	s14 =	sadd.s32 @p0 s3, s14;
	_ =	strace @p0 $0x80000049  }
0x56: {  	[tilespmem:s19], [sflag:s13] =	stream.linear.gather @p0 [hbm4b:s14+s16], $0x80, $0x200038;
	[tilespmem:$0x2100] =	vst v63  }
0x57: {  	s24 =	sand.u32 $0x1, s18;
	_ =	strace @p0 $0x90000049  }
0x58: {  	s13 =	sadd.s32 $0x1, s24;
	_ =	strace $0x8000004A  }
0x59: {  	_ =	swait.ge [sflag:s13], $0x80  }
0x5a: {  	[sflag:s13] =	ssyncset.done $0x0  }
0x5b: {  	[sflag:s13] =	ssyncadd.s32 $0xFFFFFF80  }
0x5c: {  	s25 =	sadd.s32 s17, s15;
	_ =	strace $0x9000004A  }
0x5d: {  	s13 =	sand.u32 $0x1, s25;
	_ =	strace $0x8000004B  }
0x5e: {  	s29 =	sshll.u32 s18, $0x7;
	s30 =	sshll.u32 s13, $0xC;
	s26 =	rddreg [dreg:$0x3]  }
0x5f: {  	s16 =	sand.u32 $0x80, s29;
	s17 =	sor.u32 $0x100, s30;
	s28 =	rddreg [dreg:$0x2]  }
0x60: {  	[tilespmem:s17], [sflag:$0x5] =	stream.indirect.gather [hbm4b:s28+s26], $0x20, s16, s26, $0x2000b8;
	[tilespmem:$0x2100] =	vst v63  }
0x61: {  	_ =	swait.ge [sflag:s8], $0x1000  }
0x62: {  	[sflag:s8] =	ssyncset.done $0x0  }
0x63: {  	p5 =	por p3, p3;
	p6 =	seq.s32 s11, $0x1;
	[sflag:s8] =	ssyncadd.s32 $0xFFFFF000  }
0x64: {  	s10 =	sadd.s32 s4, s10;
	p0 =	por p6, p5;
	_ =	strace $0x9000004B  }
0x65: {  	s10 =	sshll.u32 @p0 s10, $0x9;
	_ =	strace @p0 $0x8000004C  }
0x66: {  	s12 =	sadd.s32 s20, s12;
	s10 =	sand.u32 @p0 $0x1FFFFE00, s10;
	s14 =	rddreg [dreg:$0x4]  }
0x67: {  	s13 =	sadd.s32 @p0 $0x3, s13;
	s10 =	sadd.s32 @p0 s14, s10;
	s14 =	simm.s32 @p0 $0x0  }
0x68: {  	[hbm4b:s10+s14] =	stream.linear.scatter @p0 [tilespmem:s17], [sflag:s13], $0x1000, $0x200038;
	[tilespmem:$0x2100] =	vst v63  }
0x69: {  	p1 =	por p2, p2;
	s10 =	sand.u32 @!p2 $0x1, s12;
	_ =	strace @p0 $0x9000004C  }
0x6a: {  	s10 =	sadd.s32 @!p1 $0x3, s10;
	_ =	strace @!p1 $0x8000004D  }
0x6b: {  	p0 =	sne.s32 s11, $0x70;
	s11 =	simm.s32 $0x1;
	_ =	swait.ge @!p1 [sflag:s10], $0x1000  }
0x6c: {  	s11 =	simm.s32 @!p0 $0x0;
	[sflag:s10] =	ssyncset.done @!p1 $0x0  }
0x6d: {  	s9 =	sadd.s32 $0x1, s9;
	s11 =	sadd.s32 s11, s12;
	[sflag:s10] =	ssyncadd.s32 @!p1 $0xFFFFF000  }
0x6e: {  	p0 =	sne.s32 s9, s6;
	s31 =	sand.u32 $0x1, s11;
	_ =	strace @!p1 $0x9000004D  }
.Ltmp1:
0x6f: {  	s10 =	sadd.s32 $0x3, s31;
	_ =	strace $0x8000004E;
	(pc) =	sbr.rel @p0 .LBB2_1-.Ltmp1, $4  }
0x70: {  	_ =	swait.ge [sflag:s10], $0x1000  }
0x71: {  	[sflag:s10] =	ssyncset.done $0x0  }
0x72: {  	[sflag:s10] =	ssyncadd.s32 $0xFFFFF000  }
0x73: {  	_ =	strace $0x9000004E  }
0x74: {  	_ =	sfence.sel $0x180000  }
0x75: {  	[bflag:$0x0] =	sbarrier.arrive $0xFFFF  }
0x76: {  	p0 =	sne.s32 s2, $0x0;
	_ =	strace $0x90000047  }
0x77: {  	s0 =	sadd.s32 @!p0 $0x100000, s0;
	[bflag:$0x2] =	sbarrier.arrive $0xFFFF  }
0x78: {  	[sflag:s0] =	ssyncadd.tile.s32 @!p0 $0x1;
	_ =	shalt  }
.Lfunc_end2:
_tile_overlayer_lowered:
.L_overlay_start_2:
0x79: {  	(tag) =	ssettag $0x2  }
0x7a: {  	s0 =	rddreg [dreg:$0x0];
	s2 =	stileid.u32  }
0x7b: {  	s1 =	rddreg [dreg:$0x1];
	p0 =	sne.s32 s2, $0x0  }
0x7c: {  	s3 =	rddreg [dreg:$0x2];
	[bflag:$0x3] =	sbarrier.arrive $0xFFFF;
	s2 =	simm.s32 @!p0 $0x1C01  }
0x7d: {  	[timem:s3], [sflag:s2] =	dma.local @!p0 [hbm:s0], s1  }
0x7e: {  	s0 =	simm.s32 @!p0 $0x1  }
0x7f: {  	_ =	swait.ge @!p0 [sflag:s0], s1  }
0x80: {  	s1 =	ssub.s32 @!p0 $0x0, s1;
	[sflag:s0] =	ssyncset.done @!p0 $0x0  }
0x81: {  	[sflag:s0] =	ssyncadd.s32 @!p0 s1  }
0x82: {  	[bflag:$0x3] =	sbarrier.arrive $0xFFFF  }
0x83: {  	_ =	shalt  }

</sc_bundles>
